<compile_context>
chip_gen: v7x
topology: tpu7x:2x2x1
jax: 0.10.2.dev20260603
libtpu: 0.0.44.dev20260713+nightly
codegen_flags: <defaults>
</compile_context>

<pallas_src>
import functools

import jax
import jax.numpy as jnp
from jax import lax
from jax.experimental import pallas as pl
from jax.experimental.pallas import tpu as pltpu
from jax.experimental.pallas import tpu_sc as plsc

_TEAM = 5
_NMEM = 2 * _TEAM
_BATCH = 16384
_NC, _NS = 2, 16
_NW = _NC * _NS
_BPW = _BATCH // _NW
_CHUNK = 128
_NCHUNK = _BPW // _CHUNK
_NROW = _NMEM * _NCHUNK
_GRP = _BPW // 16

_mesh = plsc.VectorSubcoreMesh(core_axis_name="c", subcore_axis_name="s")


@functools.partial(
    pl.kernel,
    out_type=jax.ShapeDtypeStruct((_BATCH,), jnp.float32),
    mesh=_mesh,
    scratch_types=[
        pltpu.VMEM((_NROW * _CHUNK,), jnp.int32),
        pltpu.VMEM((_NROW * _CHUNK,), jnp.float32),
        pltpu.VMEM((_BPW,), jnp.float32),
        pltpu.SemaphoreType.DMA,
    ],
)
def _nac_sc(idx_hbm, skill_hbm, out_hbm, idx_v, vals_v, out_v, sem):
    w = lax.axis_index("s") * _NC + lax.axis_index("c")
    pltpu.sync_copy(idx_hbm.at[w], idx_v)
    pltpu.async_copy(skill_hbm.at[idx_v], vals_v, sem).wait()
    for g in range(_GRP):
        c, o = divmod(g, _GRP // _NCHUNK)
        o *= 16
        acc = vals_v[pl.ds((_TEAM * _NCHUNK + c) * _CHUNK + o, 16)]
        for j in range(_TEAM + 1, _NMEM):
            acc = acc + vals_v[pl.ds((j * _NCHUNK + c) * _CHUNK + o, 16)]
        for j in range(_TEAM):
            acc = acc - vals_v[pl.ds((j * _NCHUNK + c) * _CHUNK + o, 16)]
        out_v[pl.ds(g * 16, 16)] = 1.0 / (1.0 + jnp.exp(acc))
    pltpu.sync_copy(out_v, out_hbm.at[pl.ds(w * _BPW, _BPW)])


def kernel(data, skill):
    idx = (
        data[:, 1:]
        .reshape(_NW, _BPW, _NMEM)
        .transpose(0, 2, 1)
        .reshape(_NW, _NROW * _CHUNK)
    )
    return _nac_sc(idx, skill.reshape(-1))

# --- scband reference (transcript-rebuilt; emitter-appended) ---
"""Pipeline reference for scband-nac-8735963480386 (READ-ONLY COPY).

The authoritative reference and input builder live on the scoring server;
editing this copy changes nothing except your own understanding.
"""

import jax, jax.numpy as jnp
import numpy as np

N_PLAYER = 1000000
TEAM_SIZE = 5
BATCH = 16384

def setup_inputs(seed: int = 0) -> dict:
    key = jax.random.key(seed)
    k1, k2 = jax.random.split(key)
    data = jax.random.randint(k1, (BATCH, 1 + 2 * TEAM_SIZE), 0, N_PLAYER, dtype=jnp.int64 if jax.config.jax_enable_x64 else jnp.int32)
    skill = jax.random.normal(k2, (N_PLAYER, 1), dtype=jnp.float32) * 0.02
    return {"data": data, "skill": skill}

def _bt(skill, team):
    # nn.Embedding lookup then sum over team dim, keepdim
    hero_skill = jnp.take(skill, team, axis=0)  # [B, team_size, 1]
    return hero_skill.sum(axis=1, keepdims=True)  # [B, 1, 1]

def reference(data, skill):
    team_A = data[:, 1:1 + TEAM_SIZE]
    team_B = data[:, 1 + TEAM_SIZE:]
    out = jax.nn.sigmoid(_bt(skill, team_A) - _bt(skill, team_B))
    return out.reshape(-1)

if __name__ == "__main__":
    import jax
    _d = setup_inputs()
    print(jax.jit(kernel)(*tuple(_d.values())))

</pallas_src>

<mosaic_0001>
#map = affine_map<(d0, d1) -> (0, 0)>
#map1 = affine_map<(d0, d1) -> (0)>
module attributes {stable_mosaic.version = 14 : i64} {
  func.func @_nac_sc(%arg0: i32, %arg1: i32, %arg2: memref<32x5120xi32, #tpu.memory_space<hbm>>, %arg3: memref<1000000xf32, #tpu.memory_space<hbm>>, %arg4: memref<16384xf32, #tpu.memory_space<hbm>>, %arg5: memref<5120xi32, #tpu.memory_space<vmem>>, %arg6: memref<5120xf32, #tpu.memory_space<vmem>>, %arg7: memref<512xf32, #tpu.memory_space<vmem>>, %arg8: memref<!tpu.dma_semaphore, #tpu.memory_space<semaphore_mem>>) attributes {dimension_semantics = [#tpu.dimension_semantics<core_parallel>, #tpu.dimension_semantics<subcore_parallel>], iteration_bounds = array<i64: 2, 16>, scalar_prefetch = 0 : i64, scratch_operands = 4 : i64, tpu.core_type = #tpu.core_type<sc_vector_subcore>, window_params = [{transform_indices = #map}, {transform_indices = #map1}, {transform_indices = #map1}]} {
    %mul3A = arith.constant 2 : i32
    %mul3A_0 = arith.muli %arg1, %mul3A : i32
    %add3A = arith.addi %mul3A_0, %arg0 : i32
    "tpu.region"() ({
      %run_scoped3A = tpu.sem_alloc : memref<!tpu.dma_semaphore, #tpu.memory_space<semaphore_mem>>
      %dma_start3A_1600 = arith.constant 0 : i32
      %dma_start3A_1601 = tpu.memref_slice %arg2[%add3A, %dma_start3A_1600] : memref<32x5120xi32, #tpu.memory_space<hbm>> -> memref<1x5120xi32, #tpu.memory_space<hbm>>
      %dma_start3A_1602 = tpu.memref_squeeze %dma_start3A_1601 : memref<1x5120xi32, #tpu.memory_space<hbm>> -> memref<5120xi32, #tpu.memory_space<hbm>>
      %dma_start3A_1603 = arith.constant 0 : i32
      %dma_start3A_1604 = tpu.memref_slice %arg2[%add3A, %dma_start3A_1603] : memref<32x5120xi32, #tpu.memory_space<hbm>> -> memref<1x5120xi32, #tpu.memory_space<hbm>>
      %dma_start3A_1605 = tpu.memref_squeeze %dma_start3A_1604 : memref<1x5120xi32, #tpu.memory_space<hbm>> -> memref<5120xi32, #tpu.memory_space<hbm>>
      tpu.enqueue_dma source(%dma_start3A_1605 : memref<5120xi32, #tpu.memory_space<hbm>>) target(%arg5 : memref<5120xi32, #tpu.memory_space<vmem>>) target_semaphore(%run_scoped3A : memref<!tpu.dma_semaphore, #tpu.memory_space<semaphore_mem>>)
      %dma_wait3A_1606 = arith.constant 0 : i32
      %dma_wait3A_1607 = tpu.memref_slice %arg2[%add3A, %dma_wait3A_1606] : memref<32x5120xi32, #tpu.memory_space<hbm>> -> memref<1x5120xi32, #tpu.memory_space<hbm>>
      %dma_wait3A_1608 = tpu.memref_squeeze %dma_wait3A_1607 : memref<1x5120xi32, #tpu.memory_space<hbm>> -> memref<5120xi32, #tpu.memory_space<hbm>>
      %dma_wait3A_1609 = arith.constant 0 : i32
      %dma_wait3A_1610 = tpu.memref_slice %arg2[%add3A, %dma_wait3A_1609] : memref<32x5120xi32, #tpu.memory_space<hbm>> -> memref<1x5120xi32, #tpu.memory_space<hbm>>
      %dma_wait3A_1611 = tpu.memref_squeeze %dma_wait3A_1610 : memref<1x5120xi32, #tpu.memory_space<hbm>> -> memref<5120xi32, #tpu.memory_space<hbm>>
      tpu.wait_dma2 semaphore(%run_scoped3A : memref<!tpu.dma_semaphore, #tpu.memory_space<semaphore_mem>>) src(%dma_wait3A_1611 : memref<5120xi32, #tpu.memory_space<hbm>>) dst(%arg5 : memref<5120xi32, #tpu.memory_space<vmem>>)
      tpu.yield
    }) : () -> ()
    %dma_start3A = arith.constant 0 : i32
    %dma_start3A_1 = tpu.memref_slice %arg3[%dma_start3A] : memref<1000000xf32, #tpu.memory_space<hbm>> -> memref<1000000xf32, #tpu.memory_space<hbm>>
    tpu.enqueue_indirect_dma source(%dma_start3A_1 : memref<1000000xf32, #tpu.memory_space<hbm>>) target(%arg6 : memref<5120xf32, #tpu.memory_space<vmem>>) offsets(%arg5 : memref<5120xi32, #tpu.memory_space<vmem>>) semaphore(%arg8 : memref<!tpu.dma_semaphore, #tpu.memory_space<semaphore_mem>>)
    %dma_wait3A = arith.constant 0 : i32
    %dma_wait3A_2 = tpu.memref_slice %arg3[%dma_wait3A] : memref<1000000xf32, #tpu.memory_space<hbm>> -> memref<1000000xf32, #tpu.memory_space<hbm>>
    tpu.wait_indirect_dma semaphore(%arg8 : memref<!tpu.dma_semaphore, #tpu.memory_space<semaphore_mem>>) src(%dma_wait3A_2 : memref<1000000xf32, #tpu.memory_space<hbm>>) dst(%arg6 : memref<5120xf32, #tpu.memory_space<vmem>>)
    %get3A = arith.constant 2560 : index
    %get3A_3 = tpu.vector_load %arg6[%get3A] {strides = array<i32>} : memref<5120xf32, #tpu.memory_space<vmem>>, vector<16xf32>,
    %get3A_4 = vector.shape_cast %get3A_3 : vector<16xf32> to vector<16xf32>
    %get3A_5 = arith.constant 3072 : index
    %get3A_6 = tpu.vector_load %arg6[%get3A_5] {strides = array<i32>} : memref<5120xf32, #tpu.memory_space<vmem>>, vector<16xf32>,
    %get3A_7 = vector.shape_cast %get3A_6 : vector<16xf32> to vector<16xf32>
    %add3A_8 = arith.addf %get3A_4, %get3A_7 : vector<16xf32>
    %get3A_9 = arith.constant 3584 : index
    %get3A_10 = tpu.vector_load %arg6[%get3A_9] {strides = array<i32>} : memref<5120xf32, #tpu.memory_space<vmem>>, vector<16xf32>,
    %get3A_11 = vector.shape_cast %get3A_10 : vector<16xf32> to vector<16xf32>
    %add3A_12 = arith.addf %add3A_8, %get3A_11 : vector<16xf32>
    %get3A_13 = arith.constant 4096 : index
    %get3A_14 = tpu.vector_load %arg6[%get3A_13] {strides = array<i32>} : memref<5120xf32, #tpu.memory_space<vmem>>, vector<16xf32>,
    %get3A_15 = vector.shape_cast %get3A_14 : vector<16xf32> to vector<16xf32>
    %add3A_16 = arith.addf %add3A_12, %get3A_15 : vector<16xf32>
    %get3A_17 = arith.constant 4608 : index
    %get3A_18 = tpu.vector_load %arg6[%get3A_17] {strides = array<i32>} : memref<5120xf32, #tpu.memory_space<vmem>>, vector<16xf32>,
    %get3A_19 = vector.shape_cast %get3A_18 : vector<16xf32> to vector<16xf32>
    %add3A_20 = arith.addf %add3A_16, %get3A_19 : vector<16xf32>
    %get3A_21 = arith.constant 0 : index
    %get3A_22 = tpu.vector_load %arg6[%get3A_21] {strides = array<i32>} : memref<5120xf32, #tpu.memory_space<vmem>>, vector<16xf32>,
    %get3A_23 = vector.shape_cast %get3A_22 : vector<16xf32> to vector<16xf32>
    %sub3A = arith.subf %add3A_20, %get3A_23 : vector<16xf32>
    %get3A_24 = arith.constant 512 : index
    %get3A_25 = tpu.vector_load %arg6[%get3A_24] {strides = array<i32>} : memref<5120xf32, #tpu.memory_space<vmem>>, vector<16xf32>,
    %get3A_26 = vector.shape_cast %get3A_25 : vector<16xf32> to vector<16xf32>
    %sub3A_27 = arith.subf %sub3A, %get3A_26 : vector<16xf32>
    %get3A_28 = arith.constant 1024 : index
    %get3A_29 = tpu.vector_load %arg6[%get3A_28] {strides = array<i32>} : memref<5120xf32, #tpu.memory_space<vmem>>, vector<16xf32>,
    %get3A_30 = vector.shape_cast %get3A_29 : vector<16xf32> to vector<16xf32>
    %sub3A_31 = arith.subf %sub3A_27, %get3A_30 : vector<16xf32>
    %get3A_32 = arith.constant 1536 : index
    %get3A_33 = tpu.vector_load %arg6[%get3A_32] {strides = array<i32>} : memref<5120xf32, #tpu.memory_space<vmem>>, vector<16xf32>,
    %get3A_34 = vector.shape_cast %get3A_33 : vector<16xf32> to vector<16xf32>
    %sub3A_35 = arith.subf %sub3A_31, %get3A_34 : vector<16xf32>
    %get3A_36 = arith.constant 2048 : index
    %get3A_37 = tpu.vector_load %arg6[%get3A_36] {strides = array<i32>} : memref<5120xf32, #tpu.memory_space<vmem>>, vector<16xf32>,
    %get3A_38 = vector.shape_cast %get3A_37 : vector<16xf32> to vector<16xf32>
    %sub3A_39 = arith.subf %sub3A_35, %get3A_38 : vector<16xf32>
    %exp3A = math.exp %sub3A_39 : vector<16xf32>
    %add3A_40 = arith.constant 1.000000e+00 : f32
    %add3A_41 = vector.broadcast %add3A_40 : f32 to vector<16xf32>
    %add3A_42 = arith.addf %add3A_41, %exp3A : vector<16xf32>
    %div3A = arith.constant 1.000000e+00 : f32
    %div3A_43 = vector.broadcast %div3A : f32 to vector<16xf32>
    %div3A_44 = arith.divf %div3A_43, %add3A_42 : vector<16xf32>
    %swap3A = arith.constant 0 : index
    %swap3A_45 = tpu.vector_load %arg7[%swap3A] {strides = array<i32>} : memref<512xf32, #tpu.memory_space<vmem>>, vector<16xf32>,
    %swap3A_46 = vector.shape_cast %swap3A_45 : vector<16xf32> to vector<16xf32>
    %swap3A_47 = vector.shape_cast %div3A_44 : vector<16xf32> to vector<16xf32>
    tpu.vector_store %arg7[%swap3A], %swap3A_47 {strides = array<i32>} : memref<512xf32, #tpu.memory_space<vmem>>, vector<16xf32>,
    %get3A_48 = arith.constant 2576 : index
    %get3A_49 = tpu.vector_load %arg6[%get3A_48] {strides = array<i32>} : memref<5120xf32, #tpu.memory_space<vmem>>, vector<16xf32>,
    %get3A_50 = vector.shape_cast %get3A_49 : vector<16xf32> to vector<16xf32>
    %get3A_51 = arith.constant 3088 : index
    %get3A_52 = tpu.vector_load %arg6[%get3A_51] {strides = array<i32>} : memref<5120xf32, #tpu.memory_space<vmem>>, vector<16xf32>,
    %get3A_53 = vector.shape_cast %get3A_52 : vector<16xf32> to vector<16xf32>
    %add3A_54 = arith.addf %get3A_50, %get3A_53 : vector<16xf32>
    %get3A_55 = arith.constant 3600 : index
    %get3A_56 = tpu.vector_load %arg6[%get3A_55] {strides = array<i32>} : memref<5120xf32, #tpu.memory_space<vmem>>, vector<16xf32>,
    %get3A_57 = vector.shape_cast %get3A_56 : vector<16xf32> to vector<16xf32>
    %add3A_58 = arith.addf %add3A_54, %get3A_57 : vector<16xf32>
    %get3A_59 = arith.constant 4112 : index
    %get3A_60 = tpu.vector_load %arg6[%get3A_59] {strides = array<i32>} : memref<5120xf32, #tpu.memory_space<vmem>>, vector<16xf32>,
    %get3A_61 = vector.shape_cast %get3A_60 : vector<16xf32> to vector<16xf32>
    %add3A_62 = arith.addf %add3A_58, %get3A_61 : vector<16xf32>
    %get3A_63 = arith.constant 4624 : index
    %get3A_64 = tpu.vector_load %arg6[%get3A_63] {strides = array<i32>} : memref<5120xf32, #tpu.memory_space<vmem>>, vector<16xf32>,
    %get3A_65 = vector.shape_cast %get3A_64 : vector<16xf32> to vector<16xf32>
    %add3A_66 = arith.addf %add3A_62, %get3A_65 : vector<16xf32>
    %get3A_67 = arith.constant 16 : index
    %get3A_68 = tpu.vector_load %arg6[%get3A_67] {strides = array<i32>} : memref<5120xf32, #tpu.memory_space<vmem>>, vector<16xf32>,
    %get3A_69 = vector.shape_cast %get3A_68 : vector<16xf32> to vector<16xf32>
    %sub3A_70 = arith.subf %add3A_66, %get3A_69 : vector<16xf32>
    %get3A_71 = arith.constant 528 : index
    %get3A_72 = tpu.vector_load %arg6[%get3A_71] {strides = array<i32>} : memref<5120xf32, #tpu.memory_space<vmem>>, vector<16xf32>,
    %get3A_73 = vector.shape_cast %get3A_72 : vector<16xf32> to vector<16xf32>
    %sub3A_74 = arith.subf %sub3A_70, %get3A_73 : vector<16xf32>
    %get3A_75 = arith.constant 1040 : index
    %get3A_76 = tpu.vector_load %arg6[%get3A_75] {strides = array<i32>} : memref<5120xf32, #tpu.memory_space<vmem>>, vector<16xf32>,
    %get3A_77 = vector.shape_cast %get3A_76 : vector<16xf32> to vector<16xf32>
    %sub3A_78 = arith.subf %sub3A_74, %get3A_77 : vector<16xf32>
    %get3A_79 = arith.constant 1552 : index
    %get3A_80 = tpu.vector_load %arg6[%get3A_79] {strides = array<i32>} : memref<5120xf32, #tpu.memory_space<vmem>>, vector<16xf32>,
    %get3A_81 = vector.shape_cast %get3A_80 : vector<16xf32> to vector<16xf32>
    %sub3A_82 = arith.subf %sub3A_78, %get3A_81 : vector<16xf32>
    %get3A_83 = arith.constant 2064 : index
    %get3A_84 = tpu.vector_load %arg6[%get3A_83] {strides = array<i32>} : memref<5120xf32, #tpu.memory_space<vmem>>, vector<16xf32>,
    %get3A_85 = vector.shape_cast %get3A_84 : vector<16xf32> to vector<16xf32>
    %sub3A_86 = arith.subf %sub3A_82, %get3A_85 : vector<16xf32>
    %exp3A_87 = math.exp %sub3A_86 : vector<16xf32>
    %add3A_88 = arith.constant 1.000000e+00 : f32
    %add3A_89 = vector.broadcast %add3A_88 : f32 to vector<16xf32>
    %add3A_90 = arith.addf %add3A_89, %exp3A_87 : vector<16xf32>
    %div3A_91 = arith.constant 1.000000e+00 : f32
    %div3A_92 = vector.broadcast %div3A_91 : f32 to vector<16xf32>
    %div3A_93 = arith.divf %div3A_92, %add3A_90 : vector<16xf32>
    %swap3A_94 = arith.constant 16 : index
    %swap3A_95 = tpu.vector_load %arg7[%swap3A_94] {strides = array<i32>} : memref<512xf32, #tpu.memory_space<vmem>>, vector<16xf32>,
    %swap3A_96 = vector.shape_cast %swap3A_95 : vector<16xf32> to vector<16xf32>
    %swap3A_97 = vector.shape_cast %div3A_93 : vector<16xf32> to vector<16xf32>
    tpu.vector_store %arg7[%swap3A_94], %swap3A_97 {strides = array<i32>} : memref<512xf32, #tpu.memory_space<vmem>>, vector<16xf32>,
    %get3A_98 = arith.constant 2592 : index
    %get3A_99 = tpu.vector_load %arg6[%get3A_98] {strides = array<i32>} : memref<5120xf32, #tpu.memory_space<vmem>>, vector<16xf32>,
    %get3A_100 = vector.shape_cast %get3A_99 : vector<16xf32> to vector<16xf32>
    %get3A_101 = arith.constant 3104 : index
    %get3A_102 = tpu.vector_load %arg6[%get3A_101] {strides = array<i32>} : memref<5120xf32, #tpu.memory_space<vmem>>, vector<16xf32>,
    %get3A_103 = vector.shape_cast %get3A_102 : vector<16xf32> to vector<16xf32>
    %add3A_104 = arith.addf %get3A_100, %get3A_103 : vector<16xf32>
    %get3A_105 = arith.constant 3616 : index
    %get3A_106 = tpu.vector_load %arg6[%get3A_105] {strides = array<i32>} : memref<5120xf32, #tpu.memory_space<vmem>>, vector<16xf32>,
    %get3A_107 = vector.shape_cast %get3A_106 : vector<16xf32> to vector<16xf32>
    %add3A_108 = arith.addf %add3A_104, %get3A_107 : vector<16xf32>
    %get3A_109 = arith.constant 4128 : index
    %get3A_110 = tpu.vector_load %arg6[%get3A_109] {strides = array<i32>} : memref<5120xf32, #tpu.memory_space<vmem>>, vector<16xf32>,
    %get3A_111 = vector.shape_cast %get3A_110 : vector<16xf32> to vector<16xf32>
    %add3A_112 = arith.addf %add3A_108, %get3A_111 : vector<16xf32>
    %get3A_113 = arith.constant 4640 : index
    %get3A_114 = tpu.vector_load %arg6[%get3A_113] {strides = array<i32>} : memref<5120xf32, #tpu.memory_space<vmem>>, vector<16xf32>,
    %get3A_115 = vector.shape_cast %get3A_114 : vector<16xf32> to vector<16xf32>
    %add3A_116 = arith.addf %add3A_112, %get3A_115 : vector<16xf32>
    %get3A_117 = arith.constant 32 : index
    %get3A_118 = tpu.vector_load %arg6[%get3A_117] {strides = array<i32>} : memref<5120xf32, #tpu.memory_space<vmem>>, vector<16xf32>,
    %get3A_119 = vector.shape_cast %get3A_118 : vector<16xf32> to vector<16xf32>
    %sub3A_120 = arith.subf %add3A_116, %get3A_119 : vector<16xf32>
    %get3A_121 = arith.constant 544 : index
    %get3A_122 = tpu.vector_load %arg6[%get3A_121] {strides = array<i32>} : memref<5120xf32, #tpu.memory_space<vmem>>, vector<16xf32>,
    %get3A_123 = vector.shape_cast %get3A_122 : vector<16xf32> to vector<16xf32>
    %sub3A_124 = arith.subf %sub3A_120, %get3A_123 : vector<16xf32>
    %get3A_125 = arith.constant 1056 : index
    %get3A_126 = tpu.vector_load %arg6[%get3A_125] {strides = array<i32>} : memref<5120xf32, #tpu.memory_space<vmem>>, vector<16xf32>,
    %get3A_127 = vector.shape_cast %get3A_126 : vector<16xf32> to vector<16xf32>
    %sub3A_128 = arith.subf %sub3A_124, %get3A_127 : vector<16xf32>
    %get3A_129 = arith.constant 1568 : index
    %get3A_130 = tpu.vector_load %arg6[%get3A_129] {strides = array<i32>} : memref<5120xf32, #tpu.memory_space<vmem>>, vector<16xf32>,
    %get3A_131 = vector.shape_cast %get3A_130 : vector<16xf32> to vector<16xf32>
    %sub3A_132 = arith.subf %sub3A_128, %get3A_131 : vector<16xf32>
    %get3A_133 = arith.constant 2080 : index
    %get3A_134 = tpu.vector_load %arg6[%get3A_133] {strides = array<i32>} : memref<5120xf32, #tpu.memory_space<vmem>>, vector<16xf32>,
    %get3A_135 = vector.shape_cast %get3A_134 : vector<16xf32> to vector<16xf32>
    %sub3A_136 = arith.subf %sub3A_132, %get3A_135 : vector<16xf32>
    %exp3A_137 = math.exp %sub3A_136 : vector<16xf32>
    %add3A_138 = arith.constant 1.000000e+00 : f32
    %add3A_139 = vector.broadcast %add3A_138 : f32 to vector<16xf32>
    %add3A_140 = arith.addf %add3A_139, %exp3A_137 : vector<16xf32>
    %div3A_141 = arith.constant 1.000000e+00 : f32
    %div3A_142 = vector.broadcast %div3A_141 : f32 to vector<16xf32>
    %div3A_143 = arith.divf %div3A_142, %add3A_140 : vector<16xf32>
    %swap3A_144 = arith.constant 32 : index
    %swap3A_145 = tpu.vector_load %arg7[%swap3A_144] {strides = array<i32>} : memref<512xf32, #tpu.memory_space<vmem>>, vector<16xf32>,
    %swap3A_146 = vector.shape_cast %swap3A_145 : vector<16xf32> to vector<16xf32>
    %swap3A_147 = vector.shape_cast %div3A_143 : vector<16xf32> to vector<16xf32>
    tpu.vector_store %arg7[%swap3A_144], %swap3A_147 {strides = array<i32>} : memref<512xf32, #tpu.memory_space<vmem>>, vector<16xf32>,
    %get3A_148 = arith.constant 2608 : index
    %get3A_149 = tpu.vector_load %arg6[%get3A_148] {strides = array<i32>} : memref<5120xf32, #tpu.memory_space<vmem>>, vector<16xf32>,
    %get3A_150 = vector.shape_cast %get3A_149 : vector<16xf32> to vector<16xf32>
    %get3A_151 = arith.constant 3120 : index
    %get3A_152 = tpu.vector_load %arg6[%get3A_151] {strides = array<i32>} : memref<5120xf32, #tpu.memory_space<vmem>>, vector<16xf32>,
    %get3A_153 = vector.shape_cast %get3A_152 : vector<16xf32> to vector<16xf32>
    %add3A_154 = arith.addf %get3A_150, %get3A_153 : vector<16xf32>
    %get3A_155 = arith.constant 3632 : index
    %get3A_156 = tpu.vector_load %arg6[%get3A_155] {strides = array<i32>} : memref<5120xf32, #tpu.memory_space<vmem>>, vector<16xf32>,
    %get3A_157 = vector.shape_cast %get3A_156 : vector<16xf32> to vector<16xf32>
    %add3A_158 = arith.addf %add3A_154, %get3A_157 : vector<16xf32>
    %get3A_159 = arith.constant 4144 : index
    %get3A_160 = tpu.vector_load %arg6[%get3A_159] {strides = array<i32>} : memref<5120xf32, #tpu.memory_space<vmem>>, vector<16xf32>,
    %get3A_161 = vector.shape_cast %get3A_160 : vector<16xf32> to vector<16xf32>
    %add3A_162 = arith.addf %add3A_158, %get3A_161 : vector<16xf32>
    %get3A_163 = arith.constant 4656 : index
    %get3A_164 = tpu.vector_load %arg6[%get3A_163] {strides = array<i32>} : memref<5120xf32, #tpu.memory_space<vmem>>, vector<16xf32>,
    %get3A_165 = vector.shape_cast %get3A_164 : vector<16xf32> to vector<16xf32>
    %add3A_166 = arith.addf %add3A_162, %get3A_165 : vector<16xf32>
    %get3A_167 = arith.constant 48 : index
    %get3A_168 = tpu.vector_load %arg6[%get3A_167] {strides = array<i32>} : memref<5120xf32, #tpu.memory_space<vmem>>, vector<16xf32>,
    %get3A_169 = vector.shape_cast %get3A_168 : vector<16xf32> to vector<16xf32>
    %sub3A_170 = arith.subf %add3A_166, %get3A_169 : vector<16xf32>
    %get3A_171 = arith.constant 560 : index
    %get3A_172 = tpu.vector_load %arg6[%get3A_171] {strides = array<i32>} : memref<5120xf32, #tpu.memory_space<vmem>>, vector<16xf32>,
    %get3A_173 = vector.shape_cast %get3A_172 : vector<16xf32> to vector<16xf32>
    %sub3A_174 = arith.subf %sub3A_170, %get3A_173 : vector<16xf32>
    %get3A_175 = arith.constant 1072 : index
    %get3A_176 = tpu.vector_load %arg6[%get3A_175] {strides = array<i32>} : memref<5120xf32, #tpu.memory_space<vmem>>, vector<16xf32>,
    %get3A_177 = vector.shape_cast %get3A_176 : vector<16xf32> to vector<16xf32>
    %sub3A_178 = arith.subf %sub3A_174, %get3A_177 : vector<16xf32>
    %get3A_179 = arith.constant 1584 : index
    %get3A_180 = tpu.vector_load %arg6[%get3A_179] {strides = array<i32>} : memref<5120xf32, #tpu.memory_space<vmem>>, vector<16xf32>,
    %get3A_181 = vector.shape_cast %get3A_180 : vector<16xf32> to vector<16xf32>
    %sub3A_182 = arith.subf %sub3A_178, %get3A_181 : vector<16xf32>
    %get3A_183 = arith.constant 2096 : index
    %get3A_184 = tpu.vector_load %arg6[%get3A_183] {strides = array<i32>} : memref<5120xf32, #tpu.memory_space<vmem>>, vector<16xf32>,
    %get3A_185 = vector.shape_cast %get3A_184 : vector<16xf32> to vector<16xf32>
    %sub3A_186 = arith.subf %sub3A_182, %get3A_185 : vector<16xf32>
    %exp3A_187 = math.exp %sub3A_186 : vector<16xf32>
    %add3A_188 = arith.constant 1.000000e+00 : f32
    %add3A_189 = vector.broadcast %add3A_188 : f32 to vector<16xf32>
    %add3A_190 = arith.addf %add3A_189, %exp3A_187 : vector<16xf32>
    %div3A_191 = arith.constant 1.000000e+00 : f32
    %div3A_192 = vector.broadcast %div3A_191 : f32 to vector<16xf32>
    %div3A_193 = arith.divf %div3A_192, %add3A_190 : vector<16xf32>
    %swap3A_194 = arith.constant 48 : index
    %swap3A_195 = tpu.vector_load %arg7[%swap3A_194] {strides = array<i32>} : memref<512xf32, #tpu.memory_space<vmem>>, vector<16xf32>,
    %swap3A_196 = vector.shape_cast %swap3A_195 : vector<16xf32> to vector<16xf32>
    %swap3A_197 = vector.shape_cast %div3A_193 : vector<16xf32> to vector<16xf32>
    tpu.vector_store %arg7[%swap3A_194], %swap3A_197 {strides = array<i32>} : memref<512xf32, #tpu.memory_space<vmem>>, vector<16xf32>,
    %get3A_198 = arith.constant 2624 : index
    %get3A_199 = tpu.vector_load %arg6[%get3A_198] {strides = array<i32>} : memref<5120xf32, #tpu.memory_space<vmem>>, vector<16xf32>,
    %get3A_200 = vector.shape_cast %get3A_199 : vector<16xf32> to vector<16xf32>
    %get3A_201 = arith.constant 3136 : index
    %get3A_202 = tpu.vector_load %arg6[%get3A_201] {strides = array<i32>} : memref<5120xf32, #tpu.memory_space<vmem>>, vector<16xf32>,
    %get3A_203 = vector.shape_cast %get3A_202 : vector<16xf32> to vector<16xf32>
    %add3A_204 = arith.addf %get3A_200, %get3A_203 : vector<16xf32>
    %get3A_205 = arith.constant 3648 : index
    %get3A_206 = tpu.vector_load %arg6[%get3A_205] {strides = array<i32>} : memref<5120xf32, #tpu.memory_space<vmem>>, vector<16xf32>,
    %get3A_207 = vector.shape_cast %get3A_206 : vector<16xf32> to vector<16xf32>
    %add3A_208 = arith.addf %add3A_204, %get3A_207 : vector<16xf32>
    %get3A_209 = arith.constant 4160 : index
    %get3A_210 = tpu.vector_load %arg6[%get3A_209] {strides = array<i32>} : memref<5120xf32, #tpu.memory_space<vmem>>, vector<16xf32>,
    %get3A_211 = vector.shape_cast %get3A_210 : vector<16xf32> to vector<16xf32>
    %add3A_212 = arith.addf %add3A_208, %get3A_211 : vector<16xf32>
    %get3A_213 = arith.constant 4672 : index
    %get3A_214 = tpu.vector_load %arg6[%get3A_213] {strides = array<i32>} : memref<5120xf32, #tpu.memory_space<vmem>>, vector<16xf32>,
    %get3A_215 = vector.shape_cast %get3A_214 : vector<16xf32> to vector<16xf32>
    %add3A_216 = arith.addf %add3A_212, %get3A_215 : vector<16xf32>
    %get3A_217 = arith.constant 64 : index
    %get3A_218 = tpu.vector_load %arg6[%get3A_217] {strides = array<i32>} : memref<5120xf32, #tpu.memory_space<vmem>>, vector<16xf32>,
    %get3A_219 = vector.shape_cast %get3A_218 : vector<16xf32> to vector<16xf32>
    %sub3A_220 = arith.subf %add3A_216, %get3A_219 : vector<16xf32>
    %get3A_221 = arith.constant 576 : index
    %get3A_222 = tpu.vector_load %arg6[%get3A_221] {strides = array<i32>} : memref<5120xf32, #tpu.memory_space<vmem>>, vector<16xf32>,
    %get3A_223 = vector.shape_cast %get3A_222 : vector<16xf32> to vector<16xf32>
    %sub3A_224 = arith.subf %sub3A_220, %get3A_223 : vector<16xf32>
    %get3A_225 = arith.constant 1088 : index
    %get3A_226 = tpu.vector_load %arg6[%get3A_225] {strides = array<i32>} : memref<5120xf32, #tpu.memory_space<vmem>>, vector<16xf32>,
    %get3A_227 = vector.shape_cast %get3A_226 : vector<16xf32> to vector<16xf32>
    %sub3A_228 = arith.subf %sub3A_224, %get3A_227 : vector<16xf32>
    %get3A_229 = arith.constant 1600 : index
    %get3A_230 = tpu.vector_load %arg6[%get3A_229] {strides = array<i32>} : memref<5120xf32, #tpu.memory_space<vmem>>, vector<16xf32>,
    %get3A_231 = vector.shape_cast %get3A_230 : vector<16xf32> to vector<16xf32>
    %sub3A_232 = arith.subf %sub3A_228, %get3A_231 : vector<16xf32>
    %get3A_233 = arith.constant 2112 : index
    %get3A_234 = tpu.vector_load %arg6[%get3A_233] {strides = array<i32>} : memref<5120xf32, #tpu.memory_space<vmem>>, vector<16xf32>,
    %get3A_235 = vector.shape_cast %get3A_234 : vector<16xf32> to vector<16xf32>
    %sub3A_236 = arith.subf %sub3A_232, %get3A_235 : vector<16xf32>
    %exp3A_237 = math.exp %sub3A_236 : vector<16xf32>
    %add3A_238 = arith.constant 1.000000e+00 : f32
    %add3A_239 = vector.broadcast %add3A_238 : f32 to vector<16xf32>
    %add3A_240 = arith.addf %add3A_239, %exp3A_237 : vector<16xf32>
    %div3A_241 = arith.constant 1.000000e+00 : f32
    %div3A_242 = vector.broadcast %div3A_241 : f32 to vector<16xf32>
    %div3A_243 = arith.divf %div3A_242, %add3A_240 : vector<16xf32>
    %swap3A_244 = arith.constant 64 : index
    %swap3A_245 = tpu.vector_load %arg7[%swap3A_244] {strides = array<i32>} : memref<512xf32, #tpu.memory_space<vmem>>, vector<16xf32>,
    %swap3A_246 = vector.shape_cast %swap3A_245 : vector<16xf32> to vector<16xf32>
    %swap3A_247 = vector.shape_cast %div3A_243 : vector<16xf32> to vector<16xf32>
    tpu.vector_store %arg7[%swap3A_244], %swap3A_247 {strides = array<i32>} : memref<512xf32, #tpu.memory_space<vmem>>, vector<16xf32>,
    %get3A_248 = arith.constant 2640 : index
    %get3A_249 = tpu.vector_load %arg6[%get3A_248] {strides = array<i32>} : memref<5120xf32, #tpu.memory_space<vmem>>, vector<16xf32>,
    %get3A_250 = vector.shape_cast %get3A_249 : vector<16xf32> to vector<16xf32>
    %get3A_251 = arith.constant 3152 : index
    %get3A_252 = tpu.vector_load %arg6[%get3A_251] {strides = array<i32>} : memref<5120xf32, #tpu.memory_space<vmem>>, vector<16xf32>,
    %get3A_253 = vector.shape_cast %get3A_252 : vector<16xf32> to vector<16xf32>
    %add3A_254 = arith.addf %get3A_250, %get3A_253 : vector<16xf32>
    %get3A_255 = arith.constant 3664 : index
    %get3A_256 = tpu.vector_load %arg6[%get3A_255] {strides = array<i32>} : memref<5120xf32, #tpu.memory_space<vmem>>, vector<16xf32>,
    %get3A_257 = vector.shape_cast %get3A_256 : vector<16xf32> to vector<16xf32>
    %add3A_258 = arith.addf %add3A_254, %get3A_257 : vector<16xf32>
    %get3A_259 = arith.constant 4176 : index
    %get3A_260 = tpu.vector_load %arg6[%get3A_259] {strides = array<i32>} : memref<5120xf32, #tpu.memory_space<vmem>>, vector<16xf32>,
    %get3A_261 = vector.shape_cast %get3A_260 : vector<16xf32> to vector<16xf32>
    %add3A_262 = arith.addf %add3A_258, %get3A_261 : vector<16xf32>
    %get3A_263 = arith.constant 4688 : index
    %get3A_264 = tpu.vector_load %arg6[%get3A_263] {strides = array<i32>} : memref<5120xf32, #tpu.memory_space<vmem>>, vector<16xf32>,
    %get3A_265 = vector.shape_cast %get3A_264 : vector<16xf32> to vector<16xf32>
    %add3A_266 = arith.addf %add3A_262, %get3A_265 : vector<16xf32>
    %get3A_267 = arith.constant 80 : index
    %get3A_268 = tpu.vector_load %arg6[%get3A_267] {strides = array<i32>} : memref<5120xf32, #tpu.memory_space<vmem>>, vector<16xf32>,
    %get3A_269 = vector.shape_cast %get3A_268 : vector<16xf32> to vector<16xf32>
    %sub3A_270 = arith.subf %add3A_266, %get3A_269 : vector<16xf32>
    %get3A_271 = arith.constant 592 : index
    %get3A_272 = tpu.vector_load %arg6[%get3A_271] {strides = array<i32>} : memref<5120xf32, #tpu.memory_space<vmem>>, vector<16xf32>,
    %get3A_273 = vector.shape_cast %get3A_272 : vector<16xf32> to vector<16xf32>
    %sub3A_274 = arith.subf %sub3A_270, %get3A_273 : vector<16xf32>
    %get3A_275 = arith.constant 1104 : index
    %get3A_276 = tpu.vector_load %arg6[%get3A_275] {strides = array<i32>} : memref<5120xf32, #tpu.memory_space<vmem>>, vector<16xf32>,
    %get3A_277 = vector.shape_cast %get3A_276 : vector<16xf32> to vector<16xf32>
    %sub3A_278 = arith.subf %sub3A_274, %get3A_277 : vector<16xf32>
    %get3A_279 = arith.constant 1616 : index
    %get3A_280 = tpu.vector_load %arg6[%get3A_279] {strides = array<i32>} : memref<5120xf32, #tpu.memory_space<vmem>>, vector<16xf32>,
    %get3A_281 = vector.shape_cast %get3A_280 : vector<16xf32> to vector<16xf32>
    %sub3A_282 = arith.subf %sub3A_278, %get3A_281 : vector<16xf32>
    %get3A_283 = arith.constant 2128 : index
    %get3A_284 = tpu.vector_load %arg6[%get3A_283] {strides = array<i32>} : memref<5120xf32, #tpu.memory_space<vmem>>, vector<16xf32>,
    %get3A_285 = vector.shape_cast %get3A_284 : vector<16xf32> to vector<16xf32>
    %sub3A_286 = arith.subf %sub3A_282, %get3A_285 : vector<16xf32>
    %exp3A_287 = math.exp %sub3A_286 : vector<16xf32>
    %add3A_288 = arith.constant 1.000000e+00 : f32
    %add3A_289 = vector.broadcast %add3A_288 : f32 to vector<16xf32>
    %add3A_290 = arith.addf %add3A_289, %exp3A_287 : vector<16xf32>
    %div3A_291 = arith.constant 1.000000e+00 : f32
    %div3A_292 = vector.broadcast %div3A_291 : f32 to vector<16xf32>
    %div3A_293 = arith.divf %div3A_292, %add3A_290 : vector<16xf32>
    %swap3A_294 = arith.constant 80 : index
    %swap3A_295 = tpu.vector_load %arg7[%swap3A_294] {strides = array<i32>} : memref<512xf32, #tpu.memory_space<vmem>>, vector<16xf32>,
    %swap3A_296 = vector.shape_cast %swap3A_295 : vector<16xf32> to vector<16xf32>
    %swap3A_297 = vector.shape_cast %div3A_293 : vector<16xf32> to vector<16xf32>
    tpu.vector_store %arg7[%swap3A_294], %swap3A_297 {strides = array<i32>} : memref<512xf32, #tpu.memory_space<vmem>>, vector<16xf32>,
    %get3A_298 = arith.constant 2656 : index
    %get3A_299 = tpu.vector_load %arg6[%get3A_298] {strides = array<i32>} : memref<5120xf32, #tpu.memory_space<vmem>>, vector<16xf32>,
    %get3A_300 = vector.shape_cast %get3A_299 : vector<16xf32> to vector<16xf32>
    %get3A_301 = arith.constant 3168 : index
    %get3A_302 = tpu.vector_load %arg6[%get3A_301] {strides = array<i32>} : memref<5120xf32, #tpu.memory_space<vmem>>, vector<16xf32>,
    %get3A_303 = vector.shape_cast %get3A_302 : vector<16xf32> to vector<16xf32>
    %add3A_304 = arith.addf %get3A_300, %get3A_303 : vector<16xf32>
    %get3A_305 = arith.constant 3680 : index
    %get3A_306 = tpu.vector_load %arg6[%get3A_305] {strides = array<i32>} : memref<5120xf32, #tpu.memory_space<vmem>>, vector<16xf32>,
    %get3A_307 = vector.shape_cast %get3A_306 : vector<16xf32> to vector<16xf32>
    %add3A_308 = arith.addf %add3A_304, %get3A_307 : vector<16xf32>
    %get3A_309 = arith.constant 4192 : index
    %get3A_310 = tpu.vector_load %arg6[%get3A_309] {strides = array<i32>} : memref<5120xf32, #tpu.memory_space<vmem>>, vector<16xf32>,
    %get3A_311 = vector.shape_cast %get3A_310 : vector<16xf32> to vector<16xf32>
    %add3A_312 = arith.addf %add3A_308, %get3A_311 : vector<16xf32>
    %get3A_313 = arith.constant 4704 : index
    %get3A_314 = tpu.vector_load %arg6[%get3A_313] {strides = array<i32>} : memref<5120xf32, #tpu.memory_space<vmem>>, vector<16xf32>,
    %get3A_315 = vector.shape_cast %get3A_314 : vector<16xf32> to vector<16xf32>
    %add3A_316 = arith.addf %add3A_312, %get3A_315 : vector<16xf32>
    %get3A_317 = arith.constant 96 : index
    %get3A_318 = tpu.vector_load %arg6[%get3A_317] {strides = array<i32>} : memref<5120xf32, #tpu.memory_space<vmem>>, vector<16xf32>,
    %get3A_319 = vector.shape_cast %get3A_318 : vector<16xf32> to vector<16xf32>
    %sub3A_320 = arith.subf %add3A_316, %get3A_319 : vector<16xf32>
    %get3A_321 = arith.constant 608 : index
    %get3A_322 = tpu.vector_load %arg6[%get3A_321] {strides = array<i32>} : memref<5120xf32, #tpu.memory_space<vmem>>, vector<16xf32>,
    %get3A_323 = vector.shape_cast %get3A_322 : vector<16xf32> to vector<16xf32>
    %sub3A_324 = arith.subf %sub3A_320, %get3A_323 : vector<16xf32>
    %get3A_325 = arith.constant 1120 : index
    %get3A_326 = tpu.vector_load %arg6[%get3A_325] {strides = array<i32>} : memref<5120xf32, #tpu.memory_space<vmem>>, vector<16xf32>,
    %get3A_327 = vector.shape_cast %get3A_326 : vector<16xf32> to vector<16xf32>
    %sub3A_328 = arith.subf %sub3A_324, %get3A_327 : vector<16xf32>
    %get3A_329 = arith.constant 1632 : index
    %get3A_330 = tpu.vector_load %arg6[%get3A_329] {strides = array<i32>} : memref<5120xf32, #tpu.memory_space<vmem>>, vector<16xf32>,
    %get3A_331 = vector.shape_cast %get3A_330 : vector<16xf32> to vector<16xf32>
    %sub3A_332 = arith.subf %sub3A_328, %get3A_331 : vector<16xf32>
    %get3A_333 = arith.constant 2144 : index
    %get3A_334 = tpu.vector_load %arg6[%get3A_333] {strides = array<i32>} : memref<5120xf32, #tpu.memory_space<vmem>>, vector<16xf32>,
    %get3A_335 = vector.shape_cast %get3A_334 : vector<16xf32> to vector<16xf32>
    %sub3A_336 = arith.subf %sub3A_332, %get3A_335 : vector<16xf32>
    %exp3A_337 = math.exp %sub3A_336 : vector<16xf32>
    %add3A_338 = arith.constant 1.000000e+00 : f32
    %add3A_339 = vector.broadcast %add3A_338 : f32 to vector<16xf32>
    %add3A_340 = arith.addf %add3A_339, %exp3A_337 : vector<16xf32>
    %div3A_341 = arith.constant 1.000000e+00 : f32
    %div3A_342 = vector.broadcast %div3A_341 : f32 to vector<16xf32>
    %div3A_343 = arith.divf %div3A_342, %add3A_340 : vector<16xf32>
    %swap3A_344 = arith.constant 96 : index
    %swap3A_345 = tpu.vector_load %arg7[%swap3A_344] {strides = array<i32>} : memref<512xf32, #tpu.memory_space<vmem>>, vector<16xf32>,
    %swap3A_346 = vector.shape_cast %swap3A_345 : vector<16xf32> to vector<16xf32>
    %swap3A_347 = vector.shape_cast %div3A_343 : vector<16xf32> to vector<16xf32>
    tpu.vector_store %arg7[%swap3A_344], %swap3A_347 {strides = array<i32>} : memref<512xf32, #tpu.memory_space<vmem>>, vector<16xf32>,
    %get3A_348 = arith.constant 2672 : index
    %get3A_349 = tpu.vector_load %arg6[%get3A_348] {strides = array<i32>} : memref<5120xf32, #tpu.memory_space<vmem>>, vector<16xf32>,
    %get3A_350 = vector.shape_cast %get3A_349 : vector<16xf32> to vector<16xf32>
    %get3A_351 = arith.constant 3184 : index
    %get3A_352 = tpu.vector_load %arg6[%get3A_351] {strides = array<i32>} : memref<5120xf32, #tpu.memory_space<vmem>>, vector<16xf32>,
    %get3A_353 = vector.shape_cast %get3A_352 : vector<16xf32> to vector<16xf32>
    %add3A_354 = arith.addf %get3A_350, %get3A_353 : vector<16xf32>
    %get3A_355 = arith.constant 3696 : index
    %get3A_356 = tpu.vector_load %arg6[%get3A_355] {strides = array<i32>} : memref<5120xf32, #tpu.memory_space<vmem>>, vector<16xf32>,
    %get3A_357 = vector.shape_cast %get3A_356 : vector<16xf32> to vector<16xf32>
    %add3A_358 = arith.addf %add3A_354, %get3A_357 : vector<16xf32>
    %get3A_359 = arith.constant 4208 : index
    %get3A_360 = tpu.vector_load %arg6[%get3A_359] {strides = array<i32>} : memref<5120xf32, #tpu.memory_space<vmem>>, vector<16xf32>,
    %get3A_361 = vector.shape_cast %get3A_360 : vector<16xf32> to vector<16xf32>
    %add3A_362 = arith.addf %add3A_358, %get3A_361 : vector<16xf32>
    %get3A_363 = arith.constant 4720 : index
    %get3A_364 = tpu.vector_load %arg6[%get3A_363] {strides = array<i32>} : memref<5120xf32, #tpu.memory_space<vmem>>, vector<16xf32>,
    %get3A_365 = vector.shape_cast %get3A_364 : vector<16xf32> to vector<16xf32>
    %add3A_366 = arith.addf %add3A_362, %get3A_365 : vector<16xf32>
    %get3A_367 = arith.constant 112 : index
    %get3A_368 = tpu.vector_load %arg6[%get3A_367] {strides = array<i32>} : memref<5120xf32, #tpu.memory_space<vmem>>, vector<16xf32>,
    %get3A_369 = vector.shape_cast %get3A_368 : vector<16xf32> to vector<16xf32>
    %sub3A_370 = arith.subf %add3A_366, %get3A_369 : vector<16xf32>
    %get3A_371 = arith.constant 624 : index
    %get3A_372 = tpu.vector_load %arg6[%get3A_371] {strides = array<i32>} : memref<5120xf32, #tpu.memory_space<vmem>>, vector<16xf32>,
    %get3A_373 = vector.shape_cast %get3A_372 : vector<16xf32> to vector<16xf32>
    %sub3A_374 = arith.subf %sub3A_370, %get3A_373 : vector<16xf32>
    %get3A_375 = arith.constant 1136 : index
    %get3A_376 = tpu.vector_load %arg6[%get3A_375] {strides = array<i32>} : memref<5120xf32, #tpu.memory_space<vmem>>, vector<16xf32>,
    %get3A_377 = vector.shape_cast %get3A_376 : vector<16xf32> to vector<16xf32>
    %sub3A_378 = arith.subf %sub3A_374, %get3A_377 : vector<16xf32>
    %get3A_379 = arith.constant 1648 : index
    %get3A_380 = tpu.vector_load %arg6[%get3A_379] {strides = array<i32>} : memref<5120xf32, #tpu.memory_space<vmem>>, vector<16xf32>,
    %get3A_381 = vector.shape_cast %get3A_380 : vector<16xf32> to vector<16xf32>
    %sub3A_382 = arith.subf %sub3A_378, %get3A_381 : vector<16xf32>
    %get3A_383 = arith.constant 2160 : index
    %get3A_384 = tpu.vector_load %arg6[%get3A_383] {strides = array<i32>} : memref<5120xf32, #tpu.memory_space<vmem>>, vector<16xf32>,
    %get3A_385 = vector.shape_cast %get3A_384 : vector<16xf32> to vector<16xf32>
    %sub3A_386 = arith.subf %sub3A_382, %get3A_385 : vector<16xf32>
    %exp3A_387 = math.exp %sub3A_386 : vector<16xf32>
    %add3A_388 = arith.constant 1.000000e+00 : f32
    %add3A_389 = vector.broadcast %add3A_388 : f32 to vector<16xf32>
    %add3A_390 = arith.addf %add3A_389, %exp3A_387 : vector<16xf32>
    %div3A_391 = arith.constant 1.000000e+00 : f32
    %div3A_392 = vector.broadcast %div3A_391 : f32 to vector<16xf32>
    %div3A_393 = arith.divf %div3A_392, %add3A_390 : vector<16xf32>
    %swap3A_394 = arith.constant 112 : index
    %swap3A_395 = tpu.vector_load %arg7[%swap3A_394] {strides = array<i32>} : memref<512xf32, #tpu.memory_space<vmem>>, vector<16xf32>,
    %swap3A_396 = vector.shape_cast %swap3A_395 : vector<16xf32> to vector<16xf32>
    %swap3A_397 = vector.shape_cast %div3A_393 : vector<16xf32> to vector<16xf32>
    tpu.vector_store %arg7[%swap3A_394], %swap3A_397 {strides = array<i32>} : memref<512xf32, #tpu.memory_space<vmem>>, vector<16xf32>,
    %get3A_398 = arith.constant 2688 : index
    %get3A_399 = tpu.vector_load %arg6[%get3A_398] {strides = array<i32>} : memref<5120xf32, #tpu.memory_space<vmem>>, vector<16xf32>,
    %get3A_400 = vector.shape_cast %get3A_399 : vector<16xf32> to vector<16xf32>
    %get3A_401 = arith.constant 3200 : index
    %get3A_402 = tpu.vector_load %arg6[%get3A_401] {strides = array<i32>} : memref<5120xf32, #tpu.memory_space<vmem>>, vector<16xf32>,
    %get3A_403 = vector.shape_cast %get3A_402 : vector<16xf32> to vector<16xf32>
    %add3A_404 = arith.addf %get3A_400, %get3A_403 : vector<16xf32>
    %get3A_405 = arith.constant 3712 : index
    %get3A_406 = tpu.vector_load %arg6[%get3A_405] {strides = array<i32>} : memref<5120xf32, #tpu.memory_space<vmem>>, vector<16xf32>,
    %get3A_407 = vector.shape_cast %get3A_406 : vector<16xf32> to vector<16xf32>
    %add3A_408 = arith.addf %add3A_404, %get3A_407 : vector<16xf32>
    %get3A_409 = arith.constant 4224 : index
    %get3A_410 = tpu.vector_load %arg6[%get3A_409] {strides = array<i32>} : memref<5120xf32, #tpu.memory_space<vmem>>, vector<16xf32>,
    %get3A_411 = vector.shape_cast %get3A_410 : vector<16xf32> to vector<16xf32>
    %add3A_412 = arith.addf %add3A_408, %get3A_411 : vector<16xf32>
    %get3A_413 = arith.constant 4736 : index
    %get3A_414 = tpu.vector_load %arg6[%get3A_413] {strides = array<i32>} : memref<5120xf32, #tpu.memory_space<vmem>>, vector<16xf32>,
    %get3A_415 = vector.shape_cast %get3A_414 : vector<16xf32> to vector<16xf32>
    %add3A_416 = arith.addf %add3A_412, %get3A_415 : vector<16xf32>
    %get3A_417 = arith.constant 128 : index
    %get3A_418 = tpu.vector_load %arg6[%get3A_417] {strides = array<i32>} : memref<5120xf32, #tpu.memory_space<vmem>>, vector<16xf32>,
    %get3A_419 = vector.shape_cast %get3A_418 : vector<16xf32> to vector<16xf32>
    %sub3A_420 = arith.subf %add3A_416, %get3A_419 : vector<16xf32>
    %get3A_421 = arith.constant 640 : index
    %get3A_422 = tpu.vector_load %arg6[%get3A_421] {strides = array<i32>} : memref<5120xf32, #tpu.memory_space<vmem>>, vector<16xf32>,
    %get3A_423 = vector.shape_cast %get3A_422 : vector<16xf32> to vector<16xf32>
    %sub3A_424 = arith.subf %sub3A_420, %get3A_423 : vector<16xf32>
    %get3A_425 = arith.constant 1152 : index
    %get3A_426 = tpu.vector_load %arg6[%get3A_425] {strides = array<i32>} : memref<5120xf32, #tpu.memory_space<vmem>>, vector<16xf32>,
    %get3A_427 = vector.shape_cast %get3A_426 : vector<16xf32> to vector<16xf32>
    %sub3A_428 = arith.subf %sub3A_424, %get3A_427 : vector<16xf32>
    %get3A_429 = arith.constant 1664 : index
    %get3A_430 = tpu.vector_load %arg6[%get3A_429] {strides = array<i32>} : memref<5120xf32, #tpu.memory_space<vmem>>, vector<16xf32>,
    %get3A_431 = vector.shape_cast %get3A_430 : vector<16xf32> to vector<16xf32>
    %sub3A_432 = arith.subf %sub3A_428, %get3A_431 : vector<16xf32>
    %get3A_433 = arith.constant 2176 : index
    %get3A_434 = tpu.vector_load %arg6[%get3A_433] {strides = array<i32>} : memref<5120xf32, #tpu.memory_space<vmem>>, vector<16xf32>,
    %get3A_435 = vector.shape_cast %get3A_434 : vector<16xf32> to vector<16xf32>
    %sub3A_436 = arith.subf %sub3A_432, %get3A_435 : vector<16xf32>
    %exp3A_437 = math.exp %sub3A_436 : vector<16xf32>
    %add3A_438 = arith.constant 1.000000e+00 : f32
    %add3A_439 = vector.broadcast %add3A_438 : f32 to vector<16xf32>
    %add3A_440 = arith.addf %add3A_439, %exp3A_437 : vector<16xf32>
    %div3A_441 = arith.constant 1.000000e+00 : f32
    %div3A_442 = vector.broadcast %div3A_441 : f32 to vector<16xf32>
    %div3A_443 = arith.divf %div3A_442, %add3A_440 : vector<16xf32>
    %swap3A_444 = arith.constant 128 : index
    %swap3A_445 = tpu.vector_load %arg7[%swap3A_444] {strides = array<i32>} : memref<512xf32, #tpu.memory_space<vmem>>, vector<16xf32>,
    %swap3A_446 = vector.shape_cast %swap3A_445 : vector<16xf32> to vector<16xf32>
    %swap3A_447 = vector.shape_cast %div3A_443 : vector<16xf32> to vector<16xf32>
    tpu.vector_store %arg7[%swap3A_444], %swap3A_447 {strides = array<i32>} : memref<512xf32, #tpu.memory_space<vmem>>, vector<16xf32>,
    %get3A_448 = arith.constant 2704 : index
    %get3A_449 = tpu.vector_load %arg6[%get3A_448] {strides = array<i32>} : memref<5120xf32, #tpu.memory_space<vmem>>, vector<16xf32>,
    %get3A_450 = vector.shape_cast %get3A_449 : vector<16xf32> to vector<16xf32>
    %get3A_451 = arith.constant 3216 : index
    %get3A_452 = tpu.vector_load %arg6[%get3A_451] {strides = array<i32>} : memref<5120xf32, #tpu.memory_space<vmem>>, vector<16xf32>,
    %get3A_453 = vector.shape_cast %get3A_452 : vector<16xf32> to vector<16xf32>
    %add3A_454 = arith.addf %get3A_450, %get3A_453 : vector<16xf32>
    %get3A_455 = arith.constant 3728 : index
    %get3A_456 = tpu.vector_load %arg6[%get3A_455] {strides = array<i32>} : memref<5120xf32, #tpu.memory_space<vmem>>, vector<16xf32>,
    %get3A_457 = vector.shape_cast %get3A_456 : vector<16xf32> to vector<16xf32>
    %add3A_458 = arith.addf %add3A_454, %get3A_457 : vector<16xf32>
    %get3A_459 = arith.constant 4240 : index
    %get3A_460 = tpu.vector_load %arg6[%get3A_459] {strides = array<i32>} : memref<5120xf32, #tpu.memory_space<vmem>>, vector<16xf32>,
    %get3A_461 = vector.shape_cast %get3A_460 : vector<16xf32> to vector<16xf32>
    %add3A_462 = arith.addf %add3A_458, %get3A_461 : vector<16xf32>
    %get3A_463 = arith.constant 4752 : index
    %get3A_464 = tpu.vector_load %arg6[%get3A_463] {strides = array<i32>} : memref<5120xf32, #tpu.memory_space<vmem>>, vector<16xf32>,
    %get3A_465 = vector.shape_cast %get3A_464 : vector<16xf32> to vector<16xf32>
    %add3A_466 = arith.addf %add3A_462, %get3A_465 : vector<16xf32>
    %get3A_467 = arith.constant 144 : index
    %get3A_468 = tpu.vector_load %arg6[%get3A_467] {strides = array<i32>} : memref<5120xf32, #tpu.memory_space<vmem>>, vector<16xf32>,
    %get3A_469 = vector.shape_cast %get3A_468 : vector<16xf32> to vector<16xf32>
    %sub3A_470 = arith.subf %add3A_466, %get3A_469 : vector<16xf32>
    %get3A_471 = arith.constant 656 : index
    %get3A_472 = tpu.vector_load %arg6[%get3A_471] {strides = array<i32>} : memref<5120xf32, #tpu.memory_space<vmem>>, vector<16xf32>,
    %get3A_473 = vector.shape_cast %get3A_472 : vector<16xf32> to vector<16xf32>
    %sub3A_474 = arith.subf %sub3A_470, %get3A_473 : vector<16xf32>
    %get3A_475 = arith.constant 1168 : index
    %get3A_476 = tpu.vector_load %arg6[%get3A_475] {strides = array<i32>} : memref<5120xf32, #tpu.memory_space<vmem>>, vector<16xf32>,
    %get3A_477 = vector.shape_cast %get3A_476 : vector<16xf32> to vector<16xf32>
    %sub3A_478 = arith.subf %sub3A_474, %get3A_477 : vector<16xf32>
    %get3A_479 = arith.constant 1680 : index
    %get3A_480 = tpu.vector_load %arg6[%get3A_479] {strides = array<i32>} : memref<5120xf32, #tpu.memory_space<vmem>>, vector<16xf32>,
    %get3A_481 = vector.shape_cast %get3A_480 : vector<16xf32> to vector<16xf32>
    %sub3A_482 = arith.subf %sub3A_478, %get3A_481 : vector<16xf32>
    %get3A_483 = arith.constant 2192 : index
    %get3A_484 = tpu.vector_load %arg6[%get3A_483] {strides = array<i32>} : memref<5120xf32, #tpu.memory_space<vmem>>, vector<16xf32>,
    %get3A_485 = vector.shape_cast %get3A_484 : vector<16xf32> to vector<16xf32>
    %sub3A_486 = arith.subf %sub3A_482, %get3A_485 : vector<16xf32>
    %exp3A_487 = math.exp %sub3A_486 : vector<16xf32>
    %add3A_488 = arith.constant 1.000000e+00 : f32
    %add3A_489 = vector.broadcast %add3A_488 : f32 to vector<16xf32>
    %add3A_490 = arith.addf %add3A_489, %exp3A_487 : vector<16xf32>
    %div3A_491 = arith.constant 1.000000e+00 : f32
    %div3A_492 = vector.broadcast %div3A_491 : f32 to vector<16xf32>
    %div3A_493 = arith.divf %div3A_492, %add3A_490 : vector<16xf32>
    %swap3A_494 = arith.constant 144 : index
    %swap3A_495 = tpu.vector_load %arg7[%swap3A_494] {strides = array<i32>} : memref<512xf32, #tpu.memory_space<vmem>>, vector<16xf32>,
    %swap3A_496 = vector.shape_cast %swap3A_495 : vector<16xf32> to vector<16xf32>
    %swap3A_497 = vector.shape_cast %div3A_493 : vector<16xf32> to vector<16xf32>
    tpu.vector_store %arg7[%swap3A_494], %swap3A_497 {strides = array<i32>} : memref<512xf32, #tpu.memory_space<vmem>>, vector<16xf32>,
    %get3A_498 = arith.constant 2720 : index
    %get3A_499 = tpu.vector_load %arg6[%get3A_498] {strides = array<i32>} : memref<5120xf32, #tpu.memory_space<vmem>>, vector<16xf32>,
    %get3A_500 = vector.shape_cast %get3A_499 : vector<16xf32> to vector<16xf32>
    %get3A_501 = arith.constant 3232 : index
    %get3A_502 = tpu.vector_load %arg6[%get3A_501] {strides = array<i32>} : memref<5120xf32, #tpu.memory_space<vmem>>, vector<16xf32>,
    %get3A_503 = vector.shape_cast %get3A_502 : vector<16xf32> to vector<16xf32>
    %add3A_504 = arith.addf %get3A_500, %get3A_503 : vector<16xf32>
    %get3A_505 = arith.constant 3744 : index
    %get3A_506 = tpu.vector_load %arg6[%get3A_505] {strides = array<i32>} : memref<5120xf32, #tpu.memory_space<vmem>>, vector<16xf32>,
    %get3A_507 = vector.shape_cast %get3A_506 : vector<16xf32> to vector<16xf32>
    %add3A_508 = arith.addf %add3A_504, %get3A_507 : vector<16xf32>
    %get3A_509 = arith.constant 4256 : index
    %get3A_510 = tpu.vector_load %arg6[%get3A_509] {strides = array<i32>} : memref<5120xf32, #tpu.memory_space<vmem>>, vector<16xf32>,
    %get3A_511 = vector.shape_cast %get3A_510 : vector<16xf32> to vector<16xf32>
    %add3A_512 = arith.addf %add3A_508, %get3A_511 : vector<16xf32>
    %get3A_513 = arith.constant 4768 : index
    %get3A_514 = tpu.vector_load %arg6[%get3A_513] {strides = array<i32>} : memref<5120xf32, #tpu.memory_space<vmem>>, vector<16xf32>,
    %get3A_515 = vector.shape_cast %get3A_514 : vector<16xf32> to vector<16xf32>
    %add3A_516 = arith.addf %add3A_512, %get3A_515 : vector<16xf32>
    %get3A_517 = arith.constant 160 : index
    %get3A_518 = tpu.vector_load %arg6[%get3A_517] {strides = array<i32>} : memref<5120xf32, #tpu.memory_space<vmem>>, vector<16xf32>,
    %get3A_519 = vector.shape_cast %get3A_518 : vector<16xf32> to vector<16xf32>
    %sub3A_520 = arith.subf %add3A_516, %get3A_519 : vector<16xf32>
    %get3A_521 = arith.constant 672 : index
    %get3A_522 = tpu.vector_load %arg6[%get3A_521] {strides = array<i32>} : memref<5120xf32, #tpu.memory_space<vmem>>, vector<16xf32>,
    %get3A_523 = vector.shape_cast %get3A_522 : vector<16xf32> to vector<16xf32>
    %sub3A_524 = arith.subf %sub3A_520, %get3A_523 : vector<16xf32>
    %get3A_525 = arith.constant 1184 : index
    %get3A_526 = tpu.vector_load %arg6[%get3A_525] {strides = array<i32>} : memref<5120xf32, #tpu.memory_space<vmem>>, vector<16xf32>,
    %get3A_527 = vector.shape_cast %get3A_526 : vector<16xf32> to vector<16xf32>
    %sub3A_528 = arith.subf %sub3A_524, %get3A_527 : vector<16xf32>
    %get3A_529 = arith.constant 1696 : index
    %get3A_530 = tpu.vector_load %arg6[%get3A_529] {strides = array<i32>} : memref<5120xf32, #tpu.memory_space<vmem>>, vector<16xf32>,
    %get3A_531 = vector.shape_cast %get3A_530 : vector<16xf32> to vector<16xf32>
    %sub3A_532 = arith.subf %sub3A_528, %get3A_531 : vector<16xf32>
    %get3A_533 = arith.constant 2208 : index
    %get3A_534 = tpu.vector_load %arg6[%get3A_533] {strides = array<i32>} : memref<5120xf32, #tpu.memory_space<vmem>>, vector<16xf32>,
    %get3A_535 = vector.shape_cast %get3A_534 : vector<16xf32> to vector<16xf32>
    %sub3A_536 = arith.subf %sub3A_532, %get3A_535 : vector<16xf32>
    %exp3A_537 = math.exp %sub3A_536 : vector<16xf32>
    %add3A_538 = arith.constant 1.000000e+00 : f32
    %add3A_539 = vector.broadcast %add3A_538 : f32 to vector<16xf32>
    %add3A_540 = arith.addf %add3A_539, %exp3A_537 : vector<16xf32>
    %div3A_541 = arith.constant 1.000000e+00 : f32
    %div3A_542 = vector.broadcast %div3A_541 : f32 to vector<16xf32>
    %div3A_543 = arith.divf %div3A_542, %add3A_540 : vector<16xf32>
    %swap3A_544 = arith.constant 160 : index
    %swap3A_545 = tpu.vector_load %arg7[%swap3A_544] {strides = array<i32>} : memref<512xf32, #tpu.memory_space<vmem>>, vector<16xf32>,
    %swap3A_546 = vector.shape_cast %swap3A_545 : vector<16xf32> to vector<16xf32>
    %swap3A_547 = vector.shape_cast %div3A_543 : vector<16xf32> to vector<16xf32>
    tpu.vector_store %arg7[%swap3A_544], %swap3A_547 {strides = array<i32>} : memref<512xf32, #tpu.memory_space<vmem>>, vector<16xf32>,
    %get3A_548 = arith.constant 2736 : index
    %get3A_549 = tpu.vector_load %arg6[%get3A_548] {strides = array<i32>} : memref<5120xf32, #tpu.memory_space<vmem>>, vector<16xf32>,
    %get3A_550 = vector.shape_cast %get3A_549 : vector<16xf32> to vector<16xf32>
    %get3A_551 = arith.constant 3248 : index
    %get3A_552 = tpu.vector_load %arg6[%get3A_551] {strides = array<i32>} : memref<5120xf32, #tpu.memory_space<vmem>>, vector<16xf32>,
    %get3A_553 = vector.shape_cast %get3A_552 : vector<16xf32> to vector<16xf32>
    %add3A_554 = arith.addf %get3A_550, %get3A_553 : vector<16xf32>
    %get3A_555 = arith.constant 3760 : index
    %get3A_556 = tpu.vector_load %arg6[%get3A_555] {strides = array<i32>} : memref<5120xf32, #tpu.memory_space<vmem>>, vector<16xf32>,
    %get3A_557 = vector.shape_cast %get3A_556 : vector<16xf32> to vector<16xf32>
    %add3A_558 = arith.addf %add3A_554, %get3A_557 : vector<16xf32>
    %get3A_559 = arith.constant 4272 : index
    %get3A_560 = tpu.vector_load %arg6[%get3A_559] {strides = array<i32>} : memref<5120xf32, #tpu.memory_space<vmem>>, vector<16xf32>,
    %get3A_561 = vector.shape_cast %get3A_560 : vector<16xf32> to vector<16xf32>
    %add3A_562 = arith.addf %add3A_558, %get3A_561 : vector<16xf32>
    %get3A_563 = arith.constant 4784 : index
    %get3A_564 = tpu.vector_load %arg6[%get3A_563] {strides = array<i32>} : memref<5120xf32, #tpu.memory_space<vmem>>, vector<16xf32>,
    %get3A_565 = vector.shape_cast %get3A_564 : vector<16xf32> to vector<16xf32>
    %add3A_566 = arith.addf %add3A_562, %get3A_565 : vector<16xf32>
    %get3A_567 = arith.constant 176 : index
    %get3A_568 = tpu.vector_load %arg6[%get3A_567] {strides = array<i32>} : memref<5120xf32, #tpu.memory_space<vmem>>, vector<16xf32>,
    %get3A_569 = vector.shape_cast %get3A_568 : vector<16xf32> to vector<16xf32>
    %sub3A_570 = arith.subf %add3A_566, %get3A_569 : vector<16xf32>
    %get3A_571 = arith.constant 688 : index
    %get3A_572 = tpu.vector_load %arg6[%get3A_571] {strides = array<i32>} : memref<5120xf32, #tpu.memory_space<vmem>>, vector<16xf32>,
    %get3A_573 = vector.shape_cast %get3A_572 : vector<16xf32> to vector<16xf32>
    %sub3A_574 = arith.subf %sub3A_570, %get3A_573 : vector<16xf32>
    %get3A_575 = arith.constant 1200 : index
    %get3A_576 = tpu.vector_load %arg6[%get3A_575] {strides = array<i32>} : memref<5120xf32, #tpu.memory_space<vmem>>, vector<16xf32>,
    %get3A_577 = vector.shape_cast %get3A_576 : vector<16xf32> to vector<16xf32>
    %sub3A_578 = arith.subf %sub3A_574, %get3A_577 : vector<16xf32>
    %get3A_579 = arith.constant 1712 : index
    %get3A_580 = tpu.vector_load %arg6[%get3A_579] {strides = array<i32>} : memref<5120xf32, #tpu.memory_space<vmem>>, vector<16xf32>,
    %get3A_581 = vector.shape_cast %get3A_580 : vector<16xf32> to vector<16xf32>
    %sub3A_582 = arith.subf %sub3A_578, %get3A_581 : vector<16xf32>
    %get3A_583 = arith.constant 2224 : index
    %get3A_584 = tpu.vector_load %arg6[%get3A_583] {strides = array<i32>} : memref<5120xf32, #tpu.memory_space<vmem>>, vector<16xf32>,
    %get3A_585 = vector.shape_cast %get3A_584 : vector<16xf32> to vector<16xf32>
    %sub3A_586 = arith.subf %sub3A_582, %get3A_585 : vector<16xf32>
    %exp3A_587 = math.exp %sub3A_586 : vector<16xf32>
    %add3A_588 = arith.constant 1.000000e+00 : f32
    %add3A_589 = vector.broadcast %add3A_588 : f32 to vector<16xf32>
    %add3A_590 = arith.addf %add3A_589, %exp3A_587 : vector<16xf32>
    %div3A_591 = arith.constant 1.000000e+00 : f32
    %div3A_592 = vector.broadcast %div3A_591 : f32 to vector<16xf32>
    %div3A_593 = arith.divf %div3A_592, %add3A_590 : vector<16xf32>
    %swap3A_594 = arith.constant 176 : index
    %swap3A_595 = tpu.vector_load %arg7[%swap3A_594] {strides = array<i32>} : memref<512xf32, #tpu.memory_space<vmem>>, vector<16xf32>,
    %swap3A_596 = vector.shape_cast %swap3A_595 : vector<16xf32> to vector<16xf32>
    %swap3A_597 = vector.shape_cast %div3A_593 : vector<16xf32> to vector<16xf32>
    tpu.vector_store %arg7[%swap3A_594], %swap3A_597 {strides = array<i32>} : memref<512xf32, #tpu.memory_space<vmem>>, vector<16xf32>,
    %get3A_598 = arith.constant 2752 : index
    %get3A_599 = tpu.vector_load %arg6[%get3A_598] {strides = array<i32>} : memref<5120xf32, #tpu.memory_space<vmem>>, vector<16xf32>,
    %get3A_600 = vector.shape_cast %get3A_599 : vector<16xf32> to vector<16xf32>
    %get3A_601 = arith.constant 3264 : index
    %get3A_602 = tpu.vector_load %arg6[%get3A_601] {strides = array<i32>} : memref<5120xf32, #tpu.memory_space<vmem>>, vector<16xf32>,
    %get3A_603 = vector.shape_cast %get3A_602 : vector<16xf32> to vector<16xf32>
    %add3A_604 = arith.addf %get3A_600, %get3A_603 : vector<16xf32>
    %get3A_605 = arith.constant 3776 : index
    %get3A_606 = tpu.vector_load %arg6[%get3A_605] {strides = array<i32>} : memref<5120xf32, #tpu.memory_space<vmem>>, vector<16xf32>,
    %get3A_607 = vector.shape_cast %get3A_606 : vector<16xf32> to vector<16xf32>
    %add3A_608 = arith.addf %add3A_604, %get3A_607 : vector<16xf32>
    %get3A_609 = arith.constant 4288 : index
    %get3A_610 = tpu.vector_load %arg6[%get3A_609] {strides = array<i32>} : memref<5120xf32, #tpu.memory_space<vmem>>, vector<16xf32>,
    %get3A_611 = vector.shape_cast %get3A_610 : vector<16xf32> to vector<16xf32>
    %add3A_612 = arith.addf %add3A_608, %get3A_611 : vector<16xf32>
    %get3A_613 = arith.constant 4800 : index
    %get3A_614 = tpu.vector_load %arg6[%get3A_613] {strides = array<i32>} : memref<5120xf32, #tpu.memory_space<vmem>>, vector<16xf32>,
    %get3A_615 = vector.shape_cast %get3A_614 : vector<16xf32> to vector<16xf32>
    %add3A_616 = arith.addf %add3A_612, %get3A_615 : vector<16xf32>
    %get3A_617 = arith.constant 192 : index
    %get3A_618 = tpu.vector_load %arg6[%get3A_617] {strides = array<i32>} : memref<5120xf32, #tpu.memory_space<vmem>>, vector<16xf32>,
    %get3A_619 = vector.shape_cast %get3A_618 : vector<16xf32> to vector<16xf32>
    %sub3A_620 = arith.subf %add3A_616, %get3A_619 : vector<16xf32>
    %get3A_621 = arith.constant 704 : index
    %get3A_622 = tpu.vector_load %arg6[%get3A_621] {strides = array<i32>} : memref<5120xf32, #tpu.memory_space<vmem>>, vector<16xf32>,
    %get3A_623 = vector.shape_cast %get3A_622 : vector<16xf32> to vector<16xf32>
    %sub3A_624 = arith.subf %sub3A_620, %get3A_623 : vector<16xf32>
    %get3A_625 = arith.constant 1216 : index
    %get3A_626 = tpu.vector_load %arg6[%get3A_625] {strides = array<i32>} : memref<5120xf32, #tpu.memory_space<vmem>>, vector<16xf32>,
    %get3A_627 = vector.shape_cast %get3A_626 : vector<16xf32> to vector<16xf32>
    %sub3A_628 = arith.subf %sub3A_624, %get3A_627 : vector<16xf32>
    %get3A_629 = arith.constant 1728 : index
    %get3A_630 = tpu.vector_load %arg6[%get3A_629] {strides = array<i32>} : memref<5120xf32, #tpu.memory_space<vmem>>, vector<16xf32>,
    %get3A_631 = vector.shape_cast %get3A_630 : vector<16xf32> to vector<16xf32>
    %sub3A_632 = arith.subf %sub3A_628, %get3A_631 : vector<16xf32>
    %get3A_633 = arith.constant 2240 : index
    %get3A_634 = tpu.vector_load %arg6[%get3A_633] {strides = array<i32>} : memref<5120xf32, #tpu.memory_space<vmem>>, vector<16xf32>,
    %get3A_635 = vector.shape_cast %get3A_634 : vector<16xf32> to vector<16xf32>
    %sub3A_636 = arith.subf %sub3A_632, %get3A_635 : vector<16xf32>
    %exp3A_637 = math.exp %sub3A_636 : vector<16xf32>
    %add3A_638 = arith.constant 1.000000e+00 : f32
    %add3A_639 = vector.broadcast %add3A_638 : f32 to vector<16xf32>
    %add3A_640 = arith.addf %add3A_639, %exp3A_637 : vector<16xf32>
    %div3A_641 = arith.constant 1.000000e+00 : f32
    %div3A_642 = vector.broadcast %div3A_641 : f32 to vector<16xf32>
    %div3A_643 = arith.divf %div3A_642, %add3A_640 : vector<16xf32>
    %swap3A_644 = arith.constant 192 : index
    %swap3A_645 = tpu.vector_load %arg7[%swap3A_644] {strides = array<i32>} : memref<512xf32, #tpu.memory_space<vmem>>, vector<16xf32>,
    %swap3A_646 = vector.shape_cast %swap3A_645 : vector<16xf32> to vector<16xf32>
    %swap3A_647 = vector.shape_cast %div3A_643 : vector<16xf32> to vector<16xf32>
    tpu.vector_store %arg7[%swap3A_644], %swap3A_647 {strides = array<i32>} : memref<512xf32, #tpu.memory_space<vmem>>, vector<16xf32>,
    %get3A_648 = arith.constant 2768 : index
    %get3A_649 = tpu.vector_load %arg6[%get3A_648] {strides = array<i32>} : memref<5120xf32, #tpu.memory_space<vmem>>, vector<16xf32>,
    %get3A_650 = vector.shape_cast %get3A_649 : vector<16xf32> to vector<16xf32>
    %get3A_651 = arith.constant 3280 : index
    %get3A_652 = tpu.vector_load %arg6[%get3A_651] {strides = array<i32>} : memref<5120xf32, #tpu.memory_space<vmem>>, vector<16xf32>,
    %get3A_653 = vector.shape_cast %get3A_652 : vector<16xf32> to vector<16xf32>
    %add3A_654 = arith.addf %get3A_650, %get3A_653 : vector<16xf32>
    %get3A_655 = arith.constant 3792 : index
    %get3A_656 = tpu.vector_load %arg6[%get3A_655] {strides = array<i32>} : memref<5120xf32, #tpu.memory_space<vmem>>, vector<16xf32>,
    %get3A_657 = vector.shape_cast %get3A_656 : vector<16xf32> to vector<16xf32>
    %add3A_658 = arith.addf %add3A_654, %get3A_657 : vector<16xf32>
    %get3A_659 = arith.constant 4304 : index
    %get3A_660 = tpu.vector_load %arg6[%get3A_659] {strides = array<i32>} : memref<5120xf32, #tpu.memory_space<vmem>>, vector<16xf32>,
    %get3A_661 = vector.shape_cast %get3A_660 : vector<16xf32> to vector<16xf32>
    %add3A_662 = arith.addf %add3A_658, %get3A_661 : vector<16xf32>
    %get3A_663 = arith.constant 4816 : index
    %get3A_664 = tpu.vector_load %arg6[%get3A_663] {strides = array<i32>} : memref<5120xf32, #tpu.memory_space<vmem>>, vector<16xf32>,
    %get3A_665 = vector.shape_cast %get3A_664 : vector<16xf32> to vector<16xf32>
    %add3A_666 = arith.addf %add3A_662, %get3A_665 : vector<16xf32>
    %get3A_667 = arith.constant 208 : index
    %get3A_668 = tpu.vector_load %arg6[%get3A_667] {strides = array<i32>} : memref<5120xf32, #tpu.memory_space<vmem>>, vector<16xf32>,
    %get3A_669 = vector.shape_cast %get3A_668 : vector<16xf32> to vector<16xf32>
    %sub3A_670 = arith.subf %add3A_666, %get3A_669 : vector<16xf32>
    %get3A_671 = arith.constant 720 : index
    %get3A_672 = tpu.vector_load %arg6[%get3A_671] {strides = array<i32>} : memref<5120xf32, #tpu.memory_space<vmem>>, vector<16xf32>,
    %get3A_673 = vector.shape_cast %get3A_672 : vector<16xf32> to vector<16xf32>
    %sub3A_674 = arith.subf %sub3A_670, %get3A_673 : vector<16xf32>
    %get3A_675 = arith.constant 1232 : index
    %get3A_676 = tpu.vector_load %arg6[%get3A_675] {strides = array<i32>} : memref<5120xf32, #tpu.memory_space<vmem>>, vector<16xf32>,
    %get3A_677 = vector.shape_cast %get3A_676 : vector<16xf32> to vector<16xf32>
    %sub3A_678 = arith.subf %sub3A_674, %get3A_677 : vector<16xf32>
    %get3A_679 = arith.constant 1744 : index
    %get3A_680 = tpu.vector_load %arg6[%get3A_679] {strides = array<i32>} : memref<5120xf32, #tpu.memory_space<vmem>>, vector<16xf32>,
    %get3A_681 = vector.shape_cast %get3A_680 : vector<16xf32> to vector<16xf32>
    %sub3A_682 = arith.subf %sub3A_678, %get3A_681 : vector<16xf32>
    %get3A_683 = arith.constant 2256 : index
    %get3A_684 = tpu.vector_load %arg6[%get3A_683] {strides = array<i32>} : memref<5120xf32, #tpu.memory_space<vmem>>, vector<16xf32>,
    %get3A_685 = vector.shape_cast %get3A_684 : vector<16xf32> to vector<16xf32>
    %sub3A_686 = arith.subf %sub3A_682, %get3A_685 : vector<16xf32>
    %exp3A_687 = math.exp %sub3A_686 : vector<16xf32>
    %add3A_688 = arith.constant 1.000000e+00 : f32
    %add3A_689 = vector.broadcast %add3A_688 : f32 to vector<16xf32>
    %add3A_690 = arith.addf %add3A_689, %exp3A_687 : vector<16xf32>
    %div3A_691 = arith.constant 1.000000e+00 : f32
    %div3A_692 = vector.broadcast %div3A_691 : f32 to vector<16xf32>
    %div3A_693 = arith.divf %div3A_692, %add3A_690 : vector<16xf32>
    %swap3A_694 = arith.constant 208 : index
    %swap3A_695 = tpu.vector_load %arg7[%swap3A_694] {strides = array<i32>} : memref<512xf32, #tpu.memory_space<vmem>>, vector<16xf32>,
    %swap3A_696 = vector.shape_cast %swap3A_695 : vector<16xf32> to vector<16xf32>
    %swap3A_697 = vector.shape_cast %div3A_693 : vector<16xf32> to vector<16xf32>
    tpu.vector_store %arg7[%swap3A_694], %swap3A_697 {strides = array<i32>} : memref<512xf32, #tpu.memory_space<vmem>>, vector<16xf32>,
    %get3A_698 = arith.constant 2784 : index
    %get3A_699 = tpu.vector_load %arg6[%get3A_698] {strides = array<i32>} : memref<5120xf32, #tpu.memory_space<vmem>>, vector<16xf32>,
    %get3A_700 = vector.shape_cast %get3A_699 : vector<16xf32> to vector<16xf32>
    %get3A_701 = arith.constant 3296 : index
    %get3A_702 = tpu.vector_load %arg6[%get3A_701] {strides = array<i32>} : memref<5120xf32, #tpu.memory_space<vmem>>, vector<16xf32>,
    %get3A_703 = vector.shape_cast %get3A_702 : vector<16xf32> to vector<16xf32>
    %add3A_704 = arith.addf %get3A_700, %get3A_703 : vector<16xf32>
    %get3A_705 = arith.constant 3808 : index
    %get3A_706 = tpu.vector_load %arg6[%get3A_705] {strides = array<i32>} : memref<5120xf32, #tpu.memory_space<vmem>>, vector<16xf32>,
    %get3A_707 = vector.shape_cast %get3A_706 : vector<16xf32> to vector<16xf32>
    %add3A_708 = arith.addf %add3A_704, %get3A_707 : vector<16xf32>
    %get3A_709 = arith.constant 4320 : index
    %get3A_710 = tpu.vector_load %arg6[%get3A_709] {strides = array<i32>} : memref<5120xf32, #tpu.memory_space<vmem>>, vector<16xf32>,
    %get3A_711 = vector.shape_cast %get3A_710 : vector<16xf32> to vector<16xf32>
    %add3A_712 = arith.addf %add3A_708, %get3A_711 : vector<16xf32>
    %get3A_713 = arith.constant 4832 : index
    %get3A_714 = tpu.vector_load %arg6[%get3A_713] {strides = array<i32>} : memref<5120xf32, #tpu.memory_space<vmem>>, vector<16xf32>,
    %get3A_715 = vector.shape_cast %get3A_714 : vector<16xf32> to vector<16xf32>
    %add3A_716 = arith.addf %add3A_712, %get3A_715 : vector<16xf32>
    %get3A_717 = arith.constant 224 : index
    %get3A_718 = tpu.vector_load %arg6[%get3A_717] {strides = array<i32>} : memref<5120xf32, #tpu.memory_space<vmem>>, vector<16xf32>,
    %get3A_719 = vector.shape_cast %get3A_718 : vector<16xf32> to vector<16xf32>
    %sub3A_720 = arith.subf %add3A_716, %get3A_719 : vector<16xf32>
    %get3A_721 = arith.constant 736 : index
    %get3A_722 = tpu.vector_load %arg6[%get3A_721] {strides = array<i32>} : memref<5120xf32, #tpu.memory_space<vmem>>, vector<16xf32>,
    %get3A_723 = vector.shape_cast %get3A_722 : vector<16xf32> to vector<16xf32>
    %sub3A_724 = arith.subf %sub3A_720, %get3A_723 : vector<16xf32>
    %get3A_725 = arith.constant 1248 : index
    %get3A_726 = tpu.vector_load %arg6[%get3A_725] {strides = array<i32>} : memref<5120xf32, #tpu.memory_space<vmem>>, vector<16xf32>,
    %get3A_727 = vector.shape_cast %get3A_726 : vector<16xf32> to vector<16xf32>
    %sub3A_728 = arith.subf %sub3A_724, %get3A_727 : vector<16xf32>
    %get3A_729 = arith.constant 1760 : index
    %get3A_730 = tpu.vector_load %arg6[%get3A_729] {strides = array<i32>} : memref<5120xf32, #tpu.memory_space<vmem>>, vector<16xf32>,
    %get3A_731 = vector.shape_cast %get3A_730 : vector<16xf32> to vector<16xf32>
    %sub3A_732 = arith.subf %sub3A_728, %get3A_731 : vector<16xf32>
    %get3A_733 = arith.constant 2272 : index
    %get3A_734 = tpu.vector_load %arg6[%get3A_733] {strides = array<i32>} : memref<5120xf32, #tpu.memory_space<vmem>>, vector<16xf32>,
    %get3A_735 = vector.shape_cast %get3A_734 : vector<16xf32> to vector<16xf32>
    %sub3A_736 = arith.subf %sub3A_732, %get3A_735 : vector<16xf32>
    %exp3A_737 = math.exp %sub3A_736 : vector<16xf32>
    %add3A_738 = arith.constant 1.000000e+00 : f32
    %add3A_739 = vector.broadcast %add3A_738 : f32 to vector<16xf32>
    %add3A_740 = arith.addf %add3A_739, %exp3A_737 : vector<16xf32>
    %div3A_741 = arith.constant 1.000000e+00 : f32
    %div3A_742 = vector.broadcast %div3A_741 : f32 to vector<16xf32>
    %div3A_743 = arith.divf %div3A_742, %add3A_740 : vector<16xf32>
    %swap3A_744 = arith.constant 224 : index
    %swap3A_745 = tpu.vector_load %arg7[%swap3A_744] {strides = array<i32>} : memref<512xf32, #tpu.memory_space<vmem>>, vector<16xf32>,
    %swap3A_746 = vector.shape_cast %swap3A_745 : vector<16xf32> to vector<16xf32>
    %swap3A_747 = vector.shape_cast %div3A_743 : vector<16xf32> to vector<16xf32>
    tpu.vector_store %arg7[%swap3A_744], %swap3A_747 {strides = array<i32>} : memref<512xf32, #tpu.memory_space<vmem>>, vector<16xf32>,
    %get3A_748 = arith.constant 2800 : index
    %get3A_749 = tpu.vector_load %arg6[%get3A_748] {strides = array<i32>} : memref<5120xf32, #tpu.memory_space<vmem>>, vector<16xf32>,
    %get3A_750 = vector.shape_cast %get3A_749 : vector<16xf32> to vector<16xf32>
    %get3A_751 = arith.constant 3312 : index
    %get3A_752 = tpu.vector_load %arg6[%get3A_751] {strides = array<i32>} : memref<5120xf32, #tpu.memory_space<vmem>>, vector<16xf32>,
    %get3A_753 = vector.shape_cast %get3A_752 : vector<16xf32> to vector<16xf32>
    %add3A_754 = arith.addf %get3A_750, %get3A_753 : vector<16xf32>
    %get3A_755 = arith.constant 3824 : index
    %get3A_756 = tpu.vector_load %arg6[%get3A_755] {strides = array<i32>} : memref<5120xf32, #tpu.memory_space<vmem>>, vector<16xf32>,
    %get3A_757 = vector.shape_cast %get3A_756 : vector<16xf32> to vector<16xf32>
    %add3A_758 = arith.addf %add3A_754, %get3A_757 : vector<16xf32>
    %get3A_759 = arith.constant 4336 : index
    %get3A_760 = tpu.vector_load %arg6[%get3A_759] {strides = array<i32>} : memref<5120xf32, #tpu.memory_space<vmem>>, vector<16xf32>,
    %get3A_761 = vector.shape_cast %get3A_760 : vector<16xf32> to vector<16xf32>
    %add3A_762 = arith.addf %add3A_758, %get3A_761 : vector<16xf32>
    %get3A_763 = arith.constant 4848 : index
    %get3A_764 = tpu.vector_load %arg6[%get3A_763] {strides = array<i32>} : memref<5120xf32, #tpu.memory_space<vmem>>, vector<16xf32>,
    %get3A_765 = vector.shape_cast %get3A_764 : vector<16xf32> to vector<16xf32>
    %add3A_766 = arith.addf %add3A_762, %get3A_765 : vector<16xf32>
    %get3A_767 = arith.constant 240 : index
    %get3A_768 = tpu.vector_load %arg6[%get3A_767] {strides = array<i32>} : memref<5120xf32, #tpu.memory_space<vmem>>, vector<16xf32>,
    %get3A_769 = vector.shape_cast %get3A_768 : vector<16xf32> to vector<16xf32>
    %sub3A_770 = arith.subf %add3A_766, %get3A_769 : vector<16xf32>
    %get3A_771 = arith.constant 752 : index
    %get3A_772 = tpu.vector_load %arg6[%get3A_771] {strides = array<i32>} : memref<5120xf32, #tpu.memory_space<vmem>>, vector<16xf32>,
    %get3A_773 = vector.shape_cast %get3A_772 : vector<16xf32> to vector<16xf32>
    %sub3A_774 = arith.subf %sub3A_770, %get3A_773 : vector<16xf32>
    %get3A_775 = arith.constant 1264 : index
    %get3A_776 = tpu.vector_load %arg6[%get3A_775] {strides = array<i32>} : memref<5120xf32, #tpu.memory_space<vmem>>, vector<16xf32>,
    %get3A_777 = vector.shape_cast %get3A_776 : vector<16xf32> to vector<16xf32>
    %sub3A_778 = arith.subf %sub3A_774, %get3A_777 : vector<16xf32>
    %get3A_779 = arith.constant 1776 : index
    %get3A_780 = tpu.vector_load %arg6[%get3A_779] {strides = array<i32>} : memref<5120xf32, #tpu.memory_space<vmem>>, vector<16xf32>,
    %get3A_781 = vector.shape_cast %get3A_780 : vector<16xf32> to vector<16xf32>
    %sub3A_782 = arith.subf %sub3A_778, %get3A_781 : vector<16xf32>
    %get3A_783 = arith.constant 2288 : index
    %get3A_784 = tpu.vector_load %arg6[%get3A_783] {strides = array<i32>} : memref<5120xf32, #tpu.memory_space<vmem>>, vector<16xf32>,
    %get3A_785 = vector.shape_cast %get3A_784 : vector<16xf32> to vector<16xf32>
    %sub3A_786 = arith.subf %sub3A_782, %get3A_785 : vector<16xf32>
    %exp3A_787 = math.exp %sub3A_786 : vector<16xf32>
    %add3A_788 = arith.constant 1.000000e+00 : f32
    %add3A_789 = vector.broadcast %add3A_788 : f32 to vector<16xf32>
    %add3A_790 = arith.addf %add3A_789, %exp3A_787 : vector<16xf32>
    %div3A_791 = arith.constant 1.000000e+00 : f32
    %div3A_792 = vector.broadcast %div3A_791 : f32 to vector<16xf32>
    %div3A_793 = arith.divf %div3A_792, %add3A_790 : vector<16xf32>
    %swap3A_794 = arith.constant 240 : index
    %swap3A_795 = tpu.vector_load %arg7[%swap3A_794] {strides = array<i32>} : memref<512xf32, #tpu.memory_space<vmem>>, vector<16xf32>,
    %swap3A_796 = vector.shape_cast %swap3A_795 : vector<16xf32> to vector<16xf32>
    %swap3A_797 = vector.shape_cast %div3A_793 : vector<16xf32> to vector<16xf32>
    tpu.vector_store %arg7[%swap3A_794], %swap3A_797 {strides = array<i32>} : memref<512xf32, #tpu.memory_space<vmem>>, vector<16xf32>,
    %get3A_798 = arith.constant 2816 : index
    %get3A_799 = tpu.vector_load %arg6[%get3A_798] {strides = array<i32>} : memref<5120xf32, #tpu.memory_space<vmem>>, vector<16xf32>,
    %get3A_800 = vector.shape_cast %get3A_799 : vector<16xf32> to vector<16xf32>
    %get3A_801 = arith.constant 3328 : index
    %get3A_802 = tpu.vector_load %arg6[%get3A_801] {strides = array<i32>} : memref<5120xf32, #tpu.memory_space<vmem>>, vector<16xf32>,
    %get3A_803 = vector.shape_cast %get3A_802 : vector<16xf32> to vector<16xf32>
    %add3A_804 = arith.addf %get3A_800, %get3A_803 : vector<16xf32>
    %get3A_805 = arith.constant 3840 : index
    %get3A_806 = tpu.vector_load %arg6[%get3A_805] {strides = array<i32>} : memref<5120xf32, #tpu.memory_space<vmem>>, vector<16xf32>,
    %get3A_807 = vector.shape_cast %get3A_806 : vector<16xf32> to vector<16xf32>
    %add3A_808 = arith.addf %add3A_804, %get3A_807 : vector<16xf32>
    %get3A_809 = arith.constant 4352 : index
    %get3A_810 = tpu.vector_load %arg6[%get3A_809] {strides = array<i32>} : memref<5120xf32, #tpu.memory_space<vmem>>, vector<16xf32>,
    %get3A_811 = vector.shape_cast %get3A_810 : vector<16xf32> to vector<16xf32>
    %add3A_812 = arith.addf %add3A_808, %get3A_811 : vector<16xf32>
    %get3A_813 = arith.constant 4864 : index
    %get3A_814 = tpu.vector_load %arg6[%get3A_813] {strides = array<i32>} : memref<5120xf32, #tpu.memory_space<vmem>>, vector<16xf32>,
    %get3A_815 = vector.shape_cast %get3A_814 : vector<16xf32> to vector<16xf32>
    %add3A_816 = arith.addf %add3A_812, %get3A_815 : vector<16xf32>
    %get3A_817 = arith.constant 256 : index
    %get3A_818 = tpu.vector_load %arg6[%get3A_817] {strides = array<i32>} : memref<5120xf32, #tpu.memory_space<vmem>>, vector<16xf32>,
    %get3A_819 = vector.shape_cast %get3A_818 : vector<16xf32> to vector<16xf32>
    %sub3A_820 = arith.subf %add3A_816, %get3A_819 : vector<16xf32>
    %get3A_821 = arith.constant 768 : index
    %get3A_822 = tpu.vector_load %arg6[%get3A_821] {strides = array<i32>} : memref<5120xf32, #tpu.memory_space<vmem>>, vector<16xf32>,
    %get3A_823 = vector.shape_cast %get3A_822 : vector<16xf32> to vector<16xf32>
    %sub3A_824 = arith.subf %sub3A_820, %get3A_823 : vector<16xf32>
    %get3A_825 = arith.constant 1280 : index
    %get3A_826 = tpu.vector_load %arg6[%get3A_825] {strides = array<i32>} : memref<5120xf32, #tpu.memory_space<vmem>>, vector<16xf32>,
    %get3A_827 = vector.shape_cast %get3A_826 : vector<16xf32> to vector<16xf32>
    %sub3A_828 = arith.subf %sub3A_824, %get3A_827 : vector<16xf32>
    %get3A_829 = arith.constant 1792 : index
    %get3A_830 = tpu.vector_load %arg6[%get3A_829] {strides = array<i32>} : memref<5120xf32, #tpu.memory_space<vmem>>, vector<16xf32>,
    %get3A_831 = vector.shape_cast %get3A_830 : vector<16xf32> to vector<16xf32>
    %sub3A_832 = arith.subf %sub3A_828, %get3A_831 : vector<16xf32>
    %get3A_833 = arith.constant 2304 : index
    %get3A_834 = tpu.vector_load %arg6[%get3A_833] {strides = array<i32>} : memref<5120xf32, #tpu.memory_space<vmem>>, vector<16xf32>,
    %get3A_835 = vector.shape_cast %get3A_834 : vector<16xf32> to vector<16xf32>
    %sub3A_836 = arith.subf %sub3A_832, %get3A_835 : vector<16xf32>
    %exp3A_837 = math.exp %sub3A_836 : vector<16xf32>
    %add3A_838 = arith.constant 1.000000e+00 : f32
    %add3A_839 = vector.broadcast %add3A_838 : f32 to vector<16xf32>
    %add3A_840 = arith.addf %add3A_839, %exp3A_837 : vector<16xf32>
    %div3A_841 = arith.constant 1.000000e+00 : f32
    %div3A_842 = vector.broadcast %div3A_841 : f32 to vector<16xf32>
    %div3A_843 = arith.divf %div3A_842, %add3A_840 : vector<16xf32>
    %swap3A_844 = arith.constant 256 : index
    %swap3A_845 = tpu.vector_load %arg7[%swap3A_844] {strides = array<i32>} : memref<512xf32, #tpu.memory_space<vmem>>, vector<16xf32>,
    %swap3A_846 = vector.shape_cast %swap3A_845 : vector<16xf32> to vector<16xf32>
    %swap3A_847 = vector.shape_cast %div3A_843 : vector<16xf32> to vector<16xf32>
    tpu.vector_store %arg7[%swap3A_844], %swap3A_847 {strides = array<i32>} : memref<512xf32, #tpu.memory_space<vmem>>, vector<16xf32>,
    %get3A_848 = arith.constant 2832 : index
    %get3A_849 = tpu.vector_load %arg6[%get3A_848] {strides = array<i32>} : memref<5120xf32, #tpu.memory_space<vmem>>, vector<16xf32>,
    %get3A_850 = vector.shape_cast %get3A_849 : vector<16xf32> to vector<16xf32>
    %get3A_851 = arith.constant 3344 : index
    %get3A_852 = tpu.vector_load %arg6[%get3A_851] {strides = array<i32>} : memref<5120xf32, #tpu.memory_space<vmem>>, vector<16xf32>,
    %get3A_853 = vector.shape_cast %get3A_852 : vector<16xf32> to vector<16xf32>
    %add3A_854 = arith.addf %get3A_850, %get3A_853 : vector<16xf32>
    %get3A_855 = arith.constant 3856 : index
    %get3A_856 = tpu.vector_load %arg6[%get3A_855] {strides = array<i32>} : memref<5120xf32, #tpu.memory_space<vmem>>, vector<16xf32>,
    %get3A_857 = vector.shape_cast %get3A_856 : vector<16xf32> to vector<16xf32>
    %add3A_858 = arith.addf %add3A_854, %get3A_857 : vector<16xf32>
    %get3A_859 = arith.constant 4368 : index
    %get3A_860 = tpu.vector_load %arg6[%get3A_859] {strides = array<i32>} : memref<5120xf32, #tpu.memory_space<vmem>>, vector<16xf32>,
    %get3A_861 = vector.shape_cast %get3A_860 : vector<16xf32> to vector<16xf32>
    %add3A_862 = arith.addf %add3A_858, %get3A_861 : vector<16xf32>
    %get3A_863 = arith.constant 4880 : index
    %get3A_864 = tpu.vector_load %arg6[%get3A_863] {strides = array<i32>} : memref<5120xf32, #tpu.memory_space<vmem>>, vector<16xf32>,
    %get3A_865 = vector.shape_cast %get3A_864 : vector<16xf32> to vector<16xf32>
    %add3A_866 = arith.addf %add3A_862, %get3A_865 : vector<16xf32>
    %get3A_867 = arith.constant 272 : index
    %get3A_868 = tpu.vector_load %arg6[%get3A_867] {strides = array<i32>} : memref<5120xf32, #tpu.memory_space<vmem>>, vector<16xf32>,
    %get3A_869 = vector.shape_cast %get3A_868 : vector<16xf32> to vector<16xf32>
    %sub3A_870 = arith.subf %add3A_866, %get3A_869 : vector<16xf32>
    %get3A_871 = arith.constant 784 : index
    %get3A_872 = tpu.vector_load %arg6[%get3A_871] {strides = array<i32>} : memref<5120xf32, #tpu.memory_space<vmem>>, vector<16xf32>,
    %get3A_873 = vector.shape_cast %get3A_872 : vector<16xf32> to vector<16xf32>
    %sub3A_874 = arith.subf %sub3A_870, %get3A_873 : vector<16xf32>
    %get3A_875 = arith.constant 1296 : index
    %get3A_876 = tpu.vector_load %arg6[%get3A_875] {strides = array<i32>} : memref<5120xf32, #tpu.memory_space<vmem>>, vector<16xf32>,
    %get3A_877 = vector.shape_cast %get3A_876 : vector<16xf32> to vector<16xf32>
    %sub3A_878 = arith.subf %sub3A_874, %get3A_877 : vector<16xf32>
    %get3A_879 = arith.constant 1808 : index
    %get3A_880 = tpu.vector_load %arg6[%get3A_879] {strides = array<i32>} : memref<5120xf32, #tpu.memory_space<vmem>>, vector<16xf32>,
    %get3A_881 = vector.shape_cast %get3A_880 : vector<16xf32> to vector<16xf32>
    %sub3A_882 = arith.subf %sub3A_878, %get3A_881 : vector<16xf32>
    %get3A_883 = arith.constant 2320 : index
    %get3A_884 = tpu.vector_load %arg6[%get3A_883] {strides = array<i32>} : memref<5120xf32, #tpu.memory_space<vmem>>, vector<16xf32>,
    %get3A_885 = vector.shape_cast %get3A_884 : vector<16xf32> to vector<16xf32>
    %sub3A_886 = arith.subf %sub3A_882, %get3A_885 : vector<16xf32>
    %exp3A_887 = math.exp %sub3A_886 : vector<16xf32>
    %add3A_888 = arith.constant 1.000000e+00 : f32
    %add3A_889 = vector.broadcast %add3A_888 : f32 to vector<16xf32>
    %add3A_890 = arith.addf %add3A_889, %exp3A_887 : vector<16xf32>
    %div3A_891 = arith.constant 1.000000e+00 : f32
    %div3A_892 = vector.broadcast %div3A_891 : f32 to vector<16xf32>
    %div3A_893 = arith.divf %div3A_892, %add3A_890 : vector<16xf32>
    %swap3A_894 = arith.constant 272 : index
    %swap3A_895 = tpu.vector_load %arg7[%swap3A_894] {strides = array<i32>} : memref<512xf32, #tpu.memory_space<vmem>>, vector<16xf32>,
    %swap3A_896 = vector.shape_cast %swap3A_895 : vector<16xf32> to vector<16xf32>
    %swap3A_897 = vector.shape_cast %div3A_893 : vector<16xf32> to vector<16xf32>
    tpu.vector_store %arg7[%swap3A_894], %swap3A_897 {strides = array<i32>} : memref<512xf32, #tpu.memory_space<vmem>>, vector<16xf32>,
    %get3A_898 = arith.constant 2848 : index
    %get3A_899 = tpu.vector_load %arg6[%get3A_898] {strides = array<i32>} : memref<5120xf32, #tpu.memory_space<vmem>>, vector<16xf32>,
    %get3A_900 = vector.shape_cast %get3A_899 : vector<16xf32> to vector<16xf32>
    %get3A_901 = arith.constant 3360 : index
    %get3A_902 = tpu.vector_load %arg6[%get3A_901] {strides = array<i32>} : memref<5120xf32, #tpu.memory_space<vmem>>, vector<16xf32>,
    %get3A_903 = vector.shape_cast %get3A_902 : vector<16xf32> to vector<16xf32>
    %add3A_904 = arith.addf %get3A_900, %get3A_903 : vector<16xf32>
    %get3A_905 = arith.constant 3872 : index
    %get3A_906 = tpu.vector_load %arg6[%get3A_905] {strides = array<i32>} : memref<5120xf32, #tpu.memory_space<vmem>>, vector<16xf32>,
    %get3A_907 = vector.shape_cast %get3A_906 : vector<16xf32> to vector<16xf32>
    %add3A_908 = arith.addf %add3A_904, %get3A_907 : vector<16xf32>
    %get3A_909 = arith.constant 4384 : index
    %get3A_910 = tpu.vector_load %arg6[%get3A_909] {strides = array<i32>} : memref<5120xf32, #tpu.memory_space<vmem>>, vector<16xf32>,
    %get3A_911 = vector.shape_cast %get3A_910 : vector<16xf32> to vector<16xf32>
    %add3A_912 = arith.addf %add3A_908, %get3A_911 : vector<16xf32>
    %get3A_913 = arith.constant 4896 : index
    %get3A_914 = tpu.vector_load %arg6[%get3A_913] {strides = array<i32>} : memref<5120xf32, #tpu.memory_space<vmem>>, vector<16xf32>,
    %get3A_915 = vector.shape_cast %get3A_914 : vector<16xf32> to vector<16xf32>
    %add3A_916 = arith.addf %add3A_912, %get3A_915 : vector<16xf32>
    %get3A_917 = arith.constant 288 : index
    %get3A_918 = tpu.vector_load %arg6[%get3A_917] {strides = array<i32>} : memref<5120xf32, #tpu.memory_space<vmem>>, vector<16xf32>,
    %get3A_919 = vector.shape_cast %get3A_918 : vector<16xf32> to vector<16xf32>
    %sub3A_920 = arith.subf %add3A_916, %get3A_919 : vector<16xf32>
    %get3A_921 = arith.constant 800 : index
    %get3A_922 = tpu.vector_load %arg6[%get3A_921] {strides = array<i32>} : memref<5120xf32, #tpu.memory_space<vmem>>, vector<16xf32>,
    %get3A_923 = vector.shape_cast %get3A_922 : vector<16xf32> to vector<16xf32>
    %sub3A_924 = arith.subf %sub3A_920, %get3A_923 : vector<16xf32>
    %get3A_925 = arith.constant 1312 : index
    %get3A_926 = tpu.vector_load %arg6[%get3A_925] {strides = array<i32>} : memref<5120xf32, #tpu.memory_space<vmem>>, vector<16xf32>,
    %get3A_927 = vector.shape_cast %get3A_926 : vector<16xf32> to vector<16xf32>
    %sub3A_928 = arith.subf %sub3A_924, %get3A_927 : vector<16xf32>
    %get3A_929 = arith.constant 1824 : index
    %get3A_930 = tpu.vector_load %arg6[%get3A_929] {strides = array<i32>} : memref<5120xf32, #tpu.memory_space<vmem>>, vector<16xf32>,
    %get3A_931 = vector.shape_cast %get3A_930 : vector<16xf32> to vector<16xf32>
    %sub3A_932 = arith.subf %sub3A_928, %get3A_931 : vector<16xf32>
    %get3A_933 = arith.constant 2336 : index
    %get3A_934 = tpu.vector_load %arg6[%get3A_933] {strides = array<i32>} : memref<5120xf32, #tpu.memory_space<vmem>>, vector<16xf32>,
    %get3A_935 = vector.shape_cast %get3A_934 : vector<16xf32> to vector<16xf32>
    %sub3A_936 = arith.subf %sub3A_932, %get3A_935 : vector<16xf32>
    %exp3A_937 = math.exp %sub3A_936 : vector<16xf32>
    %add3A_938 = arith.constant 1.000000e+00 : f32
    %add3A_939 = vector.broadcast %add3A_938 : f32 to vector<16xf32>
    %add3A_940 = arith.addf %add3A_939, %exp3A_937 : vector<16xf32>
    %div3A_941 = arith.constant 1.000000e+00 : f32
    %div3A_942 = vector.broadcast %div3A_941 : f32 to vector<16xf32>
    %div3A_943 = arith.divf %div3A_942, %add3A_940 : vector<16xf32>
    %swap3A_944 = arith.constant 288 : index
    %swap3A_945 = tpu.vector_load %arg7[%swap3A_944] {strides = array<i32>} : memref<512xf32, #tpu.memory_space<vmem>>, vector<16xf32>,
    %swap3A_946 = vector.shape_cast %swap3A_945 : vector<16xf32> to vector<16xf32>
    %swap3A_947 = vector.shape_cast %div3A_943 : vector<16xf32> to vector<16xf32>
    tpu.vector_store %arg7[%swap3A_944], %swap3A_947 {strides = array<i32>} : memref<512xf32, #tpu.memory_space<vmem>>, vector<16xf32>,
    %get3A_948 = arith.constant 2864 : index
    %get3A_949 = tpu.vector_load %arg6[%get3A_948] {strides = array<i32>} : memref<5120xf32, #tpu.memory_space<vmem>>, vector<16xf32>,
    %get3A_950 = vector.shape_cast %get3A_949 : vector<16xf32> to vector<16xf32>
    %get3A_951 = arith.constant 3376 : index
    %get3A_952 = tpu.vector_load %arg6[%get3A_951] {strides = array<i32>} : memref<5120xf32, #tpu.memory_space<vmem>>, vector<16xf32>,
    %get3A_953 = vector.shape_cast %get3A_952 : vector<16xf32> to vector<16xf32>
    %add3A_954 = arith.addf %get3A_950, %get3A_953 : vector<16xf32>
    %get3A_955 = arith.constant 3888 : index
    %get3A_956 = tpu.vector_load %arg6[%get3A_955] {strides = array<i32>} : memref<5120xf32, #tpu.memory_space<vmem>>, vector<16xf32>,
    %get3A_957 = vector.shape_cast %get3A_956 : vector<16xf32> to vector<16xf32>
    %add3A_958 = arith.addf %add3A_954, %get3A_957 : vector<16xf32>
    %get3A_959 = arith.constant 4400 : index
    %get3A_960 = tpu.vector_load %arg6[%get3A_959] {strides = array<i32>} : memref<5120xf32, #tpu.memory_space<vmem>>, vector<16xf32>,
    %get3A_961 = vector.shape_cast %get3A_960 : vector<16xf32> to vector<16xf32>
    %add3A_962 = arith.addf %add3A_958, %get3A_961 : vector<16xf32>
    %get3A_963 = arith.constant 4912 : index
    %get3A_964 = tpu.vector_load %arg6[%get3A_963] {strides = array<i32>} : memref<5120xf32, #tpu.memory_space<vmem>>, vector<16xf32>,
    %get3A_965 = vector.shape_cast %get3A_964 : vector<16xf32> to vector<16xf32>
    %add3A_966 = arith.addf %add3A_962, %get3A_965 : vector<16xf32>
    %get3A_967 = arith.constant 304 : index
    %get3A_968 = tpu.vector_load %arg6[%get3A_967] {strides = array<i32>} : memref<5120xf32, #tpu.memory_space<vmem>>, vector<16xf32>,
    %get3A_969 = vector.shape_cast %get3A_968 : vector<16xf32> to vector<16xf32>
    %sub3A_970 = arith.subf %add3A_966, %get3A_969 : vector<16xf32>
    %get3A_971 = arith.constant 816 : index
    %get3A_972 = tpu.vector_load %arg6[%get3A_971] {strides = array<i32>} : memref<5120xf32, #tpu.memory_space<vmem>>, vector<16xf32>,
    %get3A_973 = vector.shape_cast %get3A_972 : vector<16xf32> to vector<16xf32>
    %sub3A_974 = arith.subf %sub3A_970, %get3A_973 : vector<16xf32>
    %get3A_975 = arith.constant 1328 : index
    %get3A_976 = tpu.vector_load %arg6[%get3A_975] {strides = array<i32>} : memref<5120xf32, #tpu.memory_space<vmem>>, vector<16xf32>,
    %get3A_977 = vector.shape_cast %get3A_976 : vector<16xf32> to vector<16xf32>
    %sub3A_978 = arith.subf %sub3A_974, %get3A_977 : vector<16xf32>
    %get3A_979 = arith.constant 1840 : index
    %get3A_980 = tpu.vector_load %arg6[%get3A_979] {strides = array<i32>} : memref<5120xf32, #tpu.memory_space<vmem>>, vector<16xf32>,
    %get3A_981 = vector.shape_cast %get3A_980 : vector<16xf32> to vector<16xf32>
    %sub3A_982 = arith.subf %sub3A_978, %get3A_981 : vector<16xf32>
    %get3A_983 = arith.constant 2352 : index
    %get3A_984 = tpu.vector_load %arg6[%get3A_983] {strides = array<i32>} : memref<5120xf32, #tpu.memory_space<vmem>>, vector<16xf32>,
    %get3A_985 = vector.shape_cast %get3A_984 : vector<16xf32> to vector<16xf32>
    %sub3A_986 = arith.subf %sub3A_982, %get3A_985 : vector<16xf32>
    %exp3A_987 = math.exp %sub3A_986 : vector<16xf32>
    %add3A_988 = arith.constant 1.000000e+00 : f32
    %add3A_989 = vector.broadcast %add3A_988 : f32 to vector<16xf32>
    %add3A_990 = arith.addf %add3A_989, %exp3A_987 : vector<16xf32>
    %div3A_991 = arith.constant 1.000000e+00 : f32
    %div3A_992 = vector.broadcast %div3A_991 : f32 to vector<16xf32>
    %div3A_993 = arith.divf %div3A_992, %add3A_990 : vector<16xf32>
    %swap3A_994 = arith.constant 304 : index
    %swap3A_995 = tpu.vector_load %arg7[%swap3A_994] {strides = array<i32>} : memref<512xf32, #tpu.memory_space<vmem>>, vector<16xf32>,
    %swap3A_996 = vector.shape_cast %swap3A_995 : vector<16xf32> to vector<16xf32>
    %swap3A_997 = vector.shape_cast %div3A_993 : vector<16xf32> to vector<16xf32>
    tpu.vector_store %arg7[%swap3A_994], %swap3A_997 {strides = array<i32>} : memref<512xf32, #tpu.memory_space<vmem>>, vector<16xf32>,
    %get3A_998 = arith.constant 2880 : index
    %get3A_999 = tpu.vector_load %arg6[%get3A_998] {strides = array<i32>} : memref<5120xf32, #tpu.memory_space<vmem>>, vector<16xf32>,
    %get3A_1000 = vector.shape_cast %get3A_999 : vector<16xf32> to vector<16xf32>
    %get3A_1001 = arith.constant 3392 : index
    %get3A_1002 = tpu.vector_load %arg6[%get3A_1001] {strides = array<i32>} : memref<5120xf32, #tpu.memory_space<vmem>>, vector<16xf32>,
    %get3A_1003 = vector.shape_cast %get3A_1002 : vector<16xf32> to vector<16xf32>
    %add3A_1004 = arith.addf %get3A_1000, %get3A_1003 : vector<16xf32>
    %get3A_1005 = arith.constant 3904 : index
    %get3A_1006 = tpu.vector_load %arg6[%get3A_1005] {strides = array<i32>} : memref<5120xf32, #tpu.memory_space<vmem>>, vector<16xf32>,
    %get3A_1007 = vector.shape_cast %get3A_1006 : vector<16xf32> to vector<16xf32>
    %add3A_1008 = arith.addf %add3A_1004, %get3A_1007 : vector<16xf32>
    %get3A_1009 = arith.constant 4416 : index
    %get3A_1010 = tpu.vector_load %arg6[%get3A_1009] {strides = array<i32>} : memref<5120xf32, #tpu.memory_space<vmem>>, vector<16xf32>,
    %get3A_1011 = vector.shape_cast %get3A_1010 : vector<16xf32> to vector<16xf32>
    %add3A_1012 = arith.addf %add3A_1008, %get3A_1011 : vector<16xf32>
    %get3A_1013 = arith.constant 4928 : index
    %get3A_1014 = tpu.vector_load %arg6[%get3A_1013] {strides = array<i32>} : memref<5120xf32, #tpu.memory_space<vmem>>, vector<16xf32>,
    %get3A_1015 = vector.shape_cast %get3A_1014 : vector<16xf32> to vector<16xf32>
    %add3A_1016 = arith.addf %add3A_1012, %get3A_1015 : vector<16xf32>
    %get3A_1017 = arith.constant 320 : index
    %get3A_1018 = tpu.vector_load %arg6[%get3A_1017] {strides = array<i32>} : memref<5120xf32, #tpu.memory_space<vmem>>, vector<16xf32>,
    %get3A_1019 = vector.shape_cast %get3A_1018 : vector<16xf32> to vector<16xf32>
    %sub3A_1020 = arith.subf %add3A_1016, %get3A_1019 : vector<16xf32>
    %get3A_1021 = arith.constant 832 : index
    %get3A_1022 = tpu.vector_load %arg6[%get3A_1021] {strides = array<i32>} : memref<5120xf32, #tpu.memory_space<vmem>>, vector<16xf32>,
    %get3A_1023 = vector.shape_cast %get3A_1022 : vector<16xf32> to vector<16xf32>
    %sub3A_1024 = arith.subf %sub3A_1020, %get3A_1023 : vector<16xf32>
    %get3A_1025 = arith.constant 1344 : index
    %get3A_1026 = tpu.vector_load %arg6[%get3A_1025] {strides = array<i32>} : memref<5120xf32, #tpu.memory_space<vmem>>, vector<16xf32>,
    %get3A_1027 = vector.shape_cast %get3A_1026 : vector<16xf32> to vector<16xf32>
    %sub3A_1028 = arith.subf %sub3A_1024, %get3A_1027 : vector<16xf32>
    %get3A_1029 = arith.constant 1856 : index
    %get3A_1030 = tpu.vector_load %arg6[%get3A_1029] {strides = array<i32>} : memref<5120xf32, #tpu.memory_space<vmem>>, vector<16xf32>,
    %get3A_1031 = vector.shape_cast %get3A_1030 : vector<16xf32> to vector<16xf32>
    %sub3A_1032 = arith.subf %sub3A_1028, %get3A_1031 : vector<16xf32>
    %get3A_1033 = arith.constant 2368 : index
    %get3A_1034 = tpu.vector_load %arg6[%get3A_1033] {strides = array<i32>} : memref<5120xf32, #tpu.memory_space<vmem>>, vector<16xf32>,
    %get3A_1035 = vector.shape_cast %get3A_1034 : vector<16xf32> to vector<16xf32>
    %sub3A_1036 = arith.subf %sub3A_1032, %get3A_1035 : vector<16xf32>
    %exp3A_1037 = math.exp %sub3A_1036 : vector<16xf32>
    %add3A_1038 = arith.constant 1.000000e+00 : f32
    %add3A_1039 = vector.broadcast %add3A_1038 : f32 to vector<16xf32>
    %add3A_1040 = arith.addf %add3A_1039, %exp3A_1037 : vector<16xf32>
    %div3A_1041 = arith.constant 1.000000e+00 : f32
    %div3A_1042 = vector.broadcast %div3A_1041 : f32 to vector<16xf32>
    %div3A_1043 = arith.divf %div3A_1042, %add3A_1040 : vector<16xf32>
    %swap3A_1044 = arith.constant 320 : index
    %swap3A_1045 = tpu.vector_load %arg7[%swap3A_1044] {strides = array<i32>} : memref<512xf32, #tpu.memory_space<vmem>>, vector<16xf32>,
    %swap3A_1046 = vector.shape_cast %swap3A_1045 : vector<16xf32> to vector<16xf32>
    %swap3A_1047 = vector.shape_cast %div3A_1043 : vector<16xf32> to vector<16xf32>
    tpu.vector_store %arg7[%swap3A_1044], %swap3A_1047 {strides = array<i32>} : memref<512xf32, #tpu.memory_space<vmem>>, vector<16xf32>,
    %get3A_1048 = arith.constant 2896 : index
    %get3A_1049 = tpu.vector_load %arg6[%get3A_1048] {strides = array<i32>} : memref<5120xf32, #tpu.memory_space<vmem>>, vector<16xf32>,
    %get3A_1050 = vector.shape_cast %get3A_1049 : vector<16xf32> to vector<16xf32>
    %get3A_1051 = arith.constant 3408 : index
    %get3A_1052 = tpu.vector_load %arg6[%get3A_1051] {strides = array<i32>} : memref<5120xf32, #tpu.memory_space<vmem>>, vector<16xf32>,
    %get3A_1053 = vector.shape_cast %get3A_1052 : vector<16xf32> to vector<16xf32>
    %add3A_1054 = arith.addf %get3A_1050, %get3A_1053 : vector<16xf32>
    %get3A_1055 = arith.constant 3920 : index
    %get3A_1056 = tpu.vector_load %arg6[%get3A_1055] {strides = array<i32>} : memref<5120xf32, #tpu.memory_space<vmem>>, vector<16xf32>,
    %get3A_1057 = vector.shape_cast %get3A_1056 : vector<16xf32> to vector<16xf32>
    %add3A_1058 = arith.addf %add3A_1054, %get3A_1057 : vector<16xf32>
    %get3A_1059 = arith.constant 4432 : index
    %get3A_1060 = tpu.vector_load %arg6[%get3A_1059] {strides = array<i32>} : memref<5120xf32, #tpu.memory_space<vmem>>, vector<16xf32>,
    %get3A_1061 = vector.shape_cast %get3A_1060 : vector<16xf32> to vector<16xf32>
    %add3A_1062 = arith.addf %add3A_1058, %get3A_1061 : vector<16xf32>
    %get3A_1063 = arith.constant 4944 : index
    %get3A_1064 = tpu.vector_load %arg6[%get3A_1063] {strides = array<i32>} : memref<5120xf32, #tpu.memory_space<vmem>>, vector<16xf32>,
    %get3A_1065 = vector.shape_cast %get3A_1064 : vector<16xf32> to vector<16xf32>
    %add3A_1066 = arith.addf %add3A_1062, %get3A_1065 : vector<16xf32>
    %get3A_1067 = arith.constant 336 : index
    %get3A_1068 = tpu.vector_load %arg6[%get3A_1067] {strides = array<i32>} : memref<5120xf32, #tpu.memory_space<vmem>>, vector<16xf32>,
    %get3A_1069 = vector.shape_cast %get3A_1068 : vector<16xf32> to vector<16xf32>
    %sub3A_1070 = arith.subf %add3A_1066, %get3A_1069 : vector<16xf32>
    %get3A_1071 = arith.constant 848 : index
    %get3A_1072 = tpu.vector_load %arg6[%get3A_1071] {strides = array<i32>} : memref<5120xf32, #tpu.memory_space<vmem>>, vector<16xf32>,
    %get3A_1073 = vector.shape_cast %get3A_1072 : vector<16xf32> to vector<16xf32>
    %sub3A_1074 = arith.subf %sub3A_1070, %get3A_1073 : vector<16xf32>
    %get3A_1075 = arith.constant 1360 : index
    %get3A_1076 = tpu.vector_load %arg6[%get3A_1075] {strides = array<i32>} : memref<5120xf32, #tpu.memory_space<vmem>>, vector<16xf32>,
    %get3A_1077 = vector.shape_cast %get3A_1076 : vector<16xf32> to vector<16xf32>
    %sub3A_1078 = arith.subf %sub3A_1074, %get3A_1077 : vector<16xf32>
    %get3A_1079 = arith.constant 1872 : index
    %get3A_1080 = tpu.vector_load %arg6[%get3A_1079] {strides = array<i32>} : memref<5120xf32, #tpu.memory_space<vmem>>, vector<16xf32>,
    %get3A_1081 = vector.shape_cast %get3A_1080 : vector<16xf32> to vector<16xf32>
    %sub3A_1082 = arith.subf %sub3A_1078, %get3A_1081 : vector<16xf32>
    %get3A_1083 = arith.constant 2384 : index
    %get3A_1084 = tpu.vector_load %arg6[%get3A_1083] {strides = array<i32>} : memref<5120xf32, #tpu.memory_space<vmem>>, vector<16xf32>,
    %get3A_1085 = vector.shape_cast %get3A_1084 : vector<16xf32> to vector<16xf32>
    %sub3A_1086 = arith.subf %sub3A_1082, %get3A_1085 : vector<16xf32>
    %exp3A_1087 = math.exp %sub3A_1086 : vector<16xf32>
    %add3A_1088 = arith.constant 1.000000e+00 : f32
    %add3A_1089 = vector.broadcast %add3A_1088 : f32 to vector<16xf32>
    %add3A_1090 = arith.addf %add3A_1089, %exp3A_1087 : vector<16xf32>
    %div3A_1091 = arith.constant 1.000000e+00 : f32
    %div3A_1092 = vector.broadcast %div3A_1091 : f32 to vector<16xf32>
    %div3A_1093 = arith.divf %div3A_1092, %add3A_1090 : vector<16xf32>
    %swap3A_1094 = arith.constant 336 : index
    %swap3A_1095 = tpu.vector_load %arg7[%swap3A_1094] {strides = array<i32>} : memref<512xf32, #tpu.memory_space<vmem>>, vector<16xf32>,
    %swap3A_1096 = vector.shape_cast %swap3A_1095 : vector<16xf32> to vector<16xf32>
    %swap3A_1097 = vector.shape_cast %div3A_1093 : vector<16xf32> to vector<16xf32>
    tpu.vector_store %arg7[%swap3A_1094], %swap3A_1097 {strides = array<i32>} : memref<512xf32, #tpu.memory_space<vmem>>, vector<16xf32>,
    %get3A_1098 = arith.constant 2912 : index
    %get3A_1099 = tpu.vector_load %arg6[%get3A_1098] {strides = array<i32>} : memref<5120xf32, #tpu.memory_space<vmem>>, vector<16xf32>,
    %get3A_1100 = vector.shape_cast %get3A_1099 : vector<16xf32> to vector<16xf32>
    %get3A_1101 = arith.constant 3424 : index
    %get3A_1102 = tpu.vector_load %arg6[%get3A_1101] {strides = array<i32>} : memref<5120xf32, #tpu.memory_space<vmem>>, vector<16xf32>,
    %get3A_1103 = vector.shape_cast %get3A_1102 : vector<16xf32> to vector<16xf32>
    %add3A_1104 = arith.addf %get3A_1100, %get3A_1103 : vector<16xf32>
    %get3A_1105 = arith.constant 3936 : index
    %get3A_1106 = tpu.vector_load %arg6[%get3A_1105] {strides = array<i32>} : memref<5120xf32, #tpu.memory_space<vmem>>, vector<16xf32>,
    %get3A_1107 = vector.shape_cast %get3A_1106 : vector<16xf32> to vector<16xf32>
    %add3A_1108 = arith.addf %add3A_1104, %get3A_1107 : vector<16xf32>
    %get3A_1109 = arith.constant 4448 : index
    %get3A_1110 = tpu.vector_load %arg6[%get3A_1109] {strides = array<i32>} : memref<5120xf32, #tpu.memory_space<vmem>>, vector<16xf32>,
    %get3A_1111 = vector.shape_cast %get3A_1110 : vector<16xf32> to vector<16xf32>
    %add3A_1112 = arith.addf %add3A_1108, %get3A_1111 : vector<16xf32>
    %get3A_1113 = arith.constant 4960 : index
    %get3A_1114 = tpu.vector_load %arg6[%get3A_1113] {strides = array<i32>} : memref<5120xf32, #tpu.memory_space<vmem>>, vector<16xf32>,
    %get3A_1115 = vector.shape_cast %get3A_1114 : vector<16xf32> to vector<16xf32>
    %add3A_1116 = arith.addf %add3A_1112, %get3A_1115 : vector<16xf32>
    %get3A_1117 = arith.constant 352 : index
    %get3A_1118 = tpu.vector_load %arg6[%get3A_1117] {strides = array<i32>} : memref<5120xf32, #tpu.memory_space<vmem>>, vector<16xf32>,
    %get3A_1119 = vector.shape_cast %get3A_1118 : vector<16xf32> to vector<16xf32>
    %sub3A_1120 = arith.subf %add3A_1116, %get3A_1119 : vector<16xf32>
    %get3A_1121 = arith.constant 864 : index
    %get3A_1122 = tpu.vector_load %arg6[%get3A_1121] {strides = array<i32>} : memref<5120xf32, #tpu.memory_space<vmem>>, vector<16xf32>,
    %get3A_1123 = vector.shape_cast %get3A_1122 : vector<16xf32> to vector<16xf32>
    %sub3A_1124 = arith.subf %sub3A_1120, %get3A_1123 : vector<16xf32>
    %get3A_1125 = arith.constant 1376 : index
    %get3A_1126 = tpu.vector_load %arg6[%get3A_1125] {strides = array<i32>} : memref<5120xf32, #tpu.memory_space<vmem>>, vector<16xf32>,
    %get3A_1127 = vector.shape_cast %get3A_1126 : vector<16xf32> to vector<16xf32>
    %sub3A_1128 = arith.subf %sub3A_1124, %get3A_1127 : vector<16xf32>
    %get3A_1129 = arith.constant 1888 : index
    %get3A_1130 = tpu.vector_load %arg6[%get3A_1129] {strides = array<i32>} : memref<5120xf32, #tpu.memory_space<vmem>>, vector<16xf32>,
    %get3A_1131 = vector.shape_cast %get3A_1130 : vector<16xf32> to vector<16xf32>
    %sub3A_1132 = arith.subf %sub3A_1128, %get3A_1131 : vector<16xf32>
    %get3A_1133 = arith.constant 2400 : index
    %get3A_1134 = tpu.vector_load %arg6[%get3A_1133] {strides = array<i32>} : memref<5120xf32, #tpu.memory_space<vmem>>, vector<16xf32>,
    %get3A_1135 = vector.shape_cast %get3A_1134 : vector<16xf32> to vector<16xf32>
    %sub3A_1136 = arith.subf %sub3A_1132, %get3A_1135 : vector<16xf32>
    %exp3A_1137 = math.exp %sub3A_1136 : vector<16xf32>
    %add3A_1138 = arith.constant 1.000000e+00 : f32
    %add3A_1139 = vector.broadcast %add3A_1138 : f32 to vector<16xf32>
    %add3A_1140 = arith.addf %add3A_1139, %exp3A_1137 : vector<16xf32>
    %div3A_1141 = arith.constant 1.000000e+00 : f32
    %div3A_1142 = vector.broadcast %div3A_1141 : f32 to vector<16xf32>
    %div3A_1143 = arith.divf %div3A_1142, %add3A_1140 : vector<16xf32>
    %swap3A_1144 = arith.constant 352 : index
    %swap3A_1145 = tpu.vector_load %arg7[%swap3A_1144] {strides = array<i32>} : memref<512xf32, #tpu.memory_space<vmem>>, vector<16xf32>,
    %swap3A_1146 = vector.shape_cast %swap3A_1145 : vector<16xf32> to vector<16xf32>
    %swap3A_1147 = vector.shape_cast %div3A_1143 : vector<16xf32> to vector<16xf32>
    tpu.vector_store %arg7[%swap3A_1144], %swap3A_1147 {strides = array<i32>} : memref<512xf32, #tpu.memory_space<vmem>>, vector<16xf32>,
    %get3A_1148 = arith.constant 2928 : index
    %get3A_1149 = tpu.vector_load %arg6[%get3A_1148] {strides = array<i32>} : memref<5120xf32, #tpu.memory_space<vmem>>, vector<16xf32>,
    %get3A_1150 = vector.shape_cast %get3A_1149 : vector<16xf32> to vector<16xf32>
    %get3A_1151 = arith.constant 3440 : index
    %get3A_1152 = tpu.vector_load %arg6[%get3A_1151] {strides = array<i32>} : memref<5120xf32, #tpu.memory_space<vmem>>, vector<16xf32>,
    %get3A_1153 = vector.shape_cast %get3A_1152 : vector<16xf32> to vector<16xf32>
    %add3A_1154 = arith.addf %get3A_1150, %get3A_1153 : vector<16xf32>
    %get3A_1155 = arith.constant 3952 : index
    %get3A_1156 = tpu.vector_load %arg6[%get3A_1155] {strides = array<i32>} : memref<5120xf32, #tpu.memory_space<vmem>>, vector<16xf32>,
    %get3A_1157 = vector.shape_cast %get3A_1156 : vector<16xf32> to vector<16xf32>
    %add3A_1158 = arith.addf %add3A_1154, %get3A_1157 : vector<16xf32>
    %get3A_1159 = arith.constant 4464 : index
    %get3A_1160 = tpu.vector_load %arg6[%get3A_1159] {strides = array<i32>} : memref<5120xf32, #tpu.memory_space<vmem>>, vector<16xf32>,
    %get3A_1161 = vector.shape_cast %get3A_1160 : vector<16xf32> to vector<16xf32>
    %add3A_1162 = arith.addf %add3A_1158, %get3A_1161 : vector<16xf32>
    %get3A_1163 = arith.constant 4976 : index
    %get3A_1164 = tpu.vector_load %arg6[%get3A_1163] {strides = array<i32>} : memref<5120xf32, #tpu.memory_space<vmem>>, vector<16xf32>,
    %get3A_1165 = vector.shape_cast %get3A_1164 : vector<16xf32> to vector<16xf32>
    %add3A_1166 = arith.addf %add3A_1162, %get3A_1165 : vector<16xf32>
    %get3A_1167 = arith.constant 368 : index
    %get3A_1168 = tpu.vector_load %arg6[%get3A_1167] {strides = array<i32>} : memref<5120xf32, #tpu.memory_space<vmem>>, vector<16xf32>,
    %get3A_1169 = vector.shape_cast %get3A_1168 : vector<16xf32> to vector<16xf32>
    %sub3A_1170 = arith.subf %add3A_1166, %get3A_1169 : vector<16xf32>
    %get3A_1171 = arith.constant 880 : index
    %get3A_1172 = tpu.vector_load %arg6[%get3A_1171] {strides = array<i32>} : memref<5120xf32, #tpu.memory_space<vmem>>, vector<16xf32>,
    %get3A_1173 = vector.shape_cast %get3A_1172 : vector<16xf32> to vector<16xf32>
    %sub3A_1174 = arith.subf %sub3A_1170, %get3A_1173 : vector<16xf32>
    %get3A_1175 = arith.constant 1392 : index
    %get3A_1176 = tpu.vector_load %arg6[%get3A_1175] {strides = array<i32>} : memref<5120xf32, #tpu.memory_space<vmem>>, vector<16xf32>,
    %get3A_1177 = vector.shape_cast %get3A_1176 : vector<16xf32> to vector<16xf32>
    %sub3A_1178 = arith.subf %sub3A_1174, %get3A_1177 : vector<16xf32>
    %get3A_1179 = arith.constant 1904 : index
    %get3A_1180 = tpu.vector_load %arg6[%get3A_1179] {strides = array<i32>} : memref<5120xf32, #tpu.memory_space<vmem>>, vector<16xf32>,
    %get3A_1181 = vector.shape_cast %get3A_1180 : vector<16xf32> to vector<16xf32>
    %sub3A_1182 = arith.subf %sub3A_1178, %get3A_1181 : vector<16xf32>
    %get3A_1183 = arith.constant 2416 : index
    %get3A_1184 = tpu.vector_load %arg6[%get3A_1183] {strides = array<i32>} : memref<5120xf32, #tpu.memory_space<vmem>>, vector<16xf32>,
    %get3A_1185 = vector.shape_cast %get3A_1184 : vector<16xf32> to vector<16xf32>
    %sub3A_1186 = arith.subf %sub3A_1182, %get3A_1185 : vector<16xf32>
    %exp3A_1187 = math.exp %sub3A_1186 : vector<16xf32>
    %add3A_1188 = arith.constant 1.000000e+00 : f32
    %add3A_1189 = vector.broadcast %add3A_1188 : f32 to vector<16xf32>
    %add3A_1190 = arith.addf %add3A_1189, %exp3A_1187 : vector<16xf32>
    %div3A_1191 = arith.constant 1.000000e+00 : f32
    %div3A_1192 = vector.broadcast %div3A_1191 : f32 to vector<16xf32>
    %div3A_1193 = arith.divf %div3A_1192, %add3A_1190 : vector<16xf32>
    %swap3A_1194 = arith.constant 368 : index
    %swap3A_1195 = tpu.vector_load %arg7[%swap3A_1194] {strides = array<i32>} : memref<512xf32, #tpu.memory_space<vmem>>, vector<16xf32>,
    %swap3A_1196 = vector.shape_cast %swap3A_1195 : vector<16xf32> to vector<16xf32>
    %swap3A_1197 = vector.shape_cast %div3A_1193 : vector<16xf32> to vector<16xf32>
    tpu.vector_store %arg7[%swap3A_1194], %swap3A_1197 {strides = array<i32>} : memref<512xf32, #tpu.memory_space<vmem>>, vector<16xf32>,
    %get3A_1198 = arith.constant 2944 : index
    %get3A_1199 = tpu.vector_load %arg6[%get3A_1198] {strides = array<i32>} : memref<5120xf32, #tpu.memory_space<vmem>>, vector<16xf32>,
    %get3A_1200 = vector.shape_cast %get3A_1199 : vector<16xf32> to vector<16xf32>
    %get3A_1201 = arith.constant 3456 : index
    %get3A_1202 = tpu.vector_load %arg6[%get3A_1201] {strides = array<i32>} : memref<5120xf32, #tpu.memory_space<vmem>>, vector<16xf32>,
    %get3A_1203 = vector.shape_cast %get3A_1202 : vector<16xf32> to vector<16xf32>
    %add3A_1204 = arith.addf %get3A_1200, %get3A_1203 : vector<16xf32>
    %get3A_1205 = arith.constant 3968 : index
    %get3A_1206 = tpu.vector_load %arg6[%get3A_1205] {strides = array<i32>} : memref<5120xf32, #tpu.memory_space<vmem>>, vector<16xf32>,
    %get3A_1207 = vector.shape_cast %get3A_1206 : vector<16xf32> to vector<16xf32>
    %add3A_1208 = arith.addf %add3A_1204, %get3A_1207 : vector<16xf32>
    %get3A_1209 = arith.constant 4480 : index
    %get3A_1210 = tpu.vector_load %arg6[%get3A_1209] {strides = array<i32>} : memref<5120xf32, #tpu.memory_space<vmem>>, vector<16xf32>,
    %get3A_1211 = vector.shape_cast %get3A_1210 : vector<16xf32> to vector<16xf32>
    %add3A_1212 = arith.addf %add3A_1208, %get3A_1211 : vector<16xf32>
    %get3A_1213 = arith.constant 4992 : index
    %get3A_1214 = tpu.vector_load %arg6[%get3A_1213] {strides = array<i32>} : memref<5120xf32, #tpu.memory_space<vmem>>, vector<16xf32>,
    %get3A_1215 = vector.shape_cast %get3A_1214 : vector<16xf32> to vector<16xf32>
    %add3A_1216 = arith.addf %add3A_1212, %get3A_1215 : vector<16xf32>
    %get3A_1217 = arith.constant 384 : index
    %get3A_1218 = tpu.vector_load %arg6[%get3A_1217] {strides = array<i32>} : memref<5120xf32, #tpu.memory_space<vmem>>, vector<16xf32>,
    %get3A_1219 = vector.shape_cast %get3A_1218 : vector<16xf32> to vector<16xf32>
    %sub3A_1220 = arith.subf %add3A_1216, %get3A_1219 : vector<16xf32>
    %get3A_1221 = arith.constant 896 : index
    %get3A_1222 = tpu.vector_load %arg6[%get3A_1221] {strides = array<i32>} : memref<5120xf32, #tpu.memory_space<vmem>>, vector<16xf32>,
    %get3A_1223 = vector.shape_cast %get3A_1222 : vector<16xf32> to vector<16xf32>
    %sub3A_1224 = arith.subf %sub3A_1220, %get3A_1223 : vector<16xf32>
    %get3A_1225 = arith.constant 1408 : index
    %get3A_1226 = tpu.vector_load %arg6[%get3A_1225] {strides = array<i32>} : memref<5120xf32, #tpu.memory_space<vmem>>, vector<16xf32>,
    %get3A_1227 = vector.shape_cast %get3A_1226 : vector<16xf32> to vector<16xf32>
    %sub3A_1228 = arith.subf %sub3A_1224, %get3A_1227 : vector<16xf32>
    %get3A_1229 = arith.constant 1920 : index
    %get3A_1230 = tpu.vector_load %arg6[%get3A_1229] {strides = array<i32>} : memref<5120xf32, #tpu.memory_space<vmem>>, vector<16xf32>,
    %get3A_1231 = vector.shape_cast %get3A_1230 : vector<16xf32> to vector<16xf32>
    %sub3A_1232 = arith.subf %sub3A_1228, %get3A_1231 : vector<16xf32>
    %get3A_1233 = arith.constant 2432 : index
    %get3A_1234 = tpu.vector_load %arg6[%get3A_1233] {strides = array<i32>} : memref<5120xf32, #tpu.memory_space<vmem>>, vector<16xf32>,
    %get3A_1235 = vector.shape_cast %get3A_1234 : vector<16xf32> to vector<16xf32>
    %sub3A_1236 = arith.subf %sub3A_1232, %get3A_1235 : vector<16xf32>
    %exp3A_1237 = math.exp %sub3A_1236 : vector<16xf32>
    %add3A_1238 = arith.constant 1.000000e+00 : f32
    %add3A_1239 = vector.broadcast %add3A_1238 : f32 to vector<16xf32>
    %add3A_1240 = arith.addf %add3A_1239, %exp3A_1237 : vector<16xf32>
    %div3A_1241 = arith.constant 1.000000e+00 : f32
    %div3A_1242 = vector.broadcast %div3A_1241 : f32 to vector<16xf32>
    %div3A_1243 = arith.divf %div3A_1242, %add3A_1240 : vector<16xf32>
    %swap3A_1244 = arith.constant 384 : index
    %swap3A_1245 = tpu.vector_load %arg7[%swap3A_1244] {strides = array<i32>} : memref<512xf32, #tpu.memory_space<vmem>>, vector<16xf32>,
    %swap3A_1246 = vector.shape_cast %swap3A_1245 : vector<16xf32> to vector<16xf32>
    %swap3A_1247 = vector.shape_cast %div3A_1243 : vector<16xf32> to vector<16xf32>
    tpu.vector_store %arg7[%swap3A_1244], %swap3A_1247 {strides = array<i32>} : memref<512xf32, #tpu.memory_space<vmem>>, vector<16xf32>,
    %get3A_1248 = arith.constant 2960 : index
    %get3A_1249 = tpu.vector_load %arg6[%get3A_1248] {strides = array<i32>} : memref<5120xf32, #tpu.memory_space<vmem>>, vector<16xf32>,
    %get3A_1250 = vector.shape_cast %get3A_1249 : vector<16xf32> to vector<16xf32>
    %get3A_1251 = arith.constant 3472 : index
    %get3A_1252 = tpu.vector_load %arg6[%get3A_1251] {strides = array<i32>} : memref<5120xf32, #tpu.memory_space<vmem>>, vector<16xf32>,
    %get3A_1253 = vector.shape_cast %get3A_1252 : vector<16xf32> to vector<16xf32>
    %add3A_1254 = arith.addf %get3A_1250, %get3A_1253 : vector<16xf32>
    %get3A_1255 = arith.constant 3984 : index
    %get3A_1256 = tpu.vector_load %arg6[%get3A_1255] {strides = array<i32>} : memref<5120xf32, #tpu.memory_space<vmem>>, vector<16xf32>,
    %get3A_1257 = vector.shape_cast %get3A_1256 : vector<16xf32> to vector<16xf32>
    %add3A_1258 = arith.addf %add3A_1254, %get3A_1257 : vector<16xf32>
    %get3A_1259 = arith.constant 4496 : index
    %get3A_1260 = tpu.vector_load %arg6[%get3A_1259] {strides = array<i32>} : memref<5120xf32, #tpu.memory_space<vmem>>, vector<16xf32>,
    %get3A_1261 = vector.shape_cast %get3A_1260 : vector<16xf32> to vector<16xf32>
    %add3A_1262 = arith.addf %add3A_1258, %get3A_1261 : vector<16xf32>
    %get3A_1263 = arith.constant 5008 : index
    %get3A_1264 = tpu.vector_load %arg6[%get3A_1263] {strides = array<i32>} : memref<5120xf32, #tpu.memory_space<vmem>>, vector<16xf32>,
    %get3A_1265 = vector.shape_cast %get3A_1264 : vector<16xf32> to vector<16xf32>
    %add3A_1266 = arith.addf %add3A_1262, %get3A_1265 : vector<16xf32>
    %get3A_1267 = arith.constant 400 : index
    %get3A_1268 = tpu.vector_load %arg6[%get3A_1267] {strides = array<i32>} : memref<5120xf32, #tpu.memory_space<vmem>>, vector<16xf32>,
    %get3A_1269 = vector.shape_cast %get3A_1268 : vector<16xf32> to vector<16xf32>
    %sub3A_1270 = arith.subf %add3A_1266, %get3A_1269 : vector<16xf32>
    %get3A_1271 = arith.constant 912 : index
    %get3A_1272 = tpu.vector_load %arg6[%get3A_1271] {strides = array<i32>} : memref<5120xf32, #tpu.memory_space<vmem>>, vector<16xf32>,
    %get3A_1273 = vector.shape_cast %get3A_1272 : vector<16xf32> to vector<16xf32>
    %sub3A_1274 = arith.subf %sub3A_1270, %get3A_1273 : vector<16xf32>
    %get3A_1275 = arith.constant 1424 : index
    %get3A_1276 = tpu.vector_load %arg6[%get3A_1275] {strides = array<i32>} : memref<5120xf32, #tpu.memory_space<vmem>>, vector<16xf32>,
    %get3A_1277 = vector.shape_cast %get3A_1276 : vector<16xf32> to vector<16xf32>
    %sub3A_1278 = arith.subf %sub3A_1274, %get3A_1277 : vector<16xf32>
    %get3A_1279 = arith.constant 1936 : index
    %get3A_1280 = tpu.vector_load %arg6[%get3A_1279] {strides = array<i32>} : memref<5120xf32, #tpu.memory_space<vmem>>, vector<16xf32>,
    %get3A_1281 = vector.shape_cast %get3A_1280 : vector<16xf32> to vector<16xf32>
    %sub3A_1282 = arith.subf %sub3A_1278, %get3A_1281 : vector<16xf32>
    %get3A_1283 = arith.constant 2448 : index
    %get3A_1284 = tpu.vector_load %arg6[%get3A_1283] {strides = array<i32>} : memref<5120xf32, #tpu.memory_space<vmem>>, vector<16xf32>,
    %get3A_1285 = vector.shape_cast %get3A_1284 : vector<16xf32> to vector<16xf32>
    %sub3A_1286 = arith.subf %sub3A_1282, %get3A_1285 : vector<16xf32>
    %exp3A_1287 = math.exp %sub3A_1286 : vector<16xf32>
    %add3A_1288 = arith.constant 1.000000e+00 : f32
    %add3A_1289 = vector.broadcast %add3A_1288 : f32 to vector<16xf32>
    %add3A_1290 = arith.addf %add3A_1289, %exp3A_1287 : vector<16xf32>
    %div3A_1291 = arith.constant 1.000000e+00 : f32
    %div3A_1292 = vector.broadcast %div3A_1291 : f32 to vector<16xf32>
    %div3A_1293 = arith.divf %div3A_1292, %add3A_1290 : vector<16xf32>
    %swap3A_1294 = arith.constant 400 : index
    %swap3A_1295 = tpu.vector_load %arg7[%swap3A_1294] {strides = array<i32>} : memref<512xf32, #tpu.memory_space<vmem>>, vector<16xf32>,
    %swap3A_1296 = vector.shape_cast %swap3A_1295 : vector<16xf32> to vector<16xf32>
    %swap3A_1297 = vector.shape_cast %div3A_1293 : vector<16xf32> to vector<16xf32>
    tpu.vector_store %arg7[%swap3A_1294], %swap3A_1297 {strides = array<i32>} : memref<512xf32, #tpu.memory_space<vmem>>, vector<16xf32>,
    %get3A_1298 = arith.constant 2976 : index
    %get3A_1299 = tpu.vector_load %arg6[%get3A_1298] {strides = array<i32>} : memref<5120xf32, #tpu.memory_space<vmem>>, vector<16xf32>,
    %get3A_1300 = vector.shape_cast %get3A_1299 : vector<16xf32> to vector<16xf32>
    %get3A_1301 = arith.constant 3488 : index
    %get3A_1302 = tpu.vector_load %arg6[%get3A_1301] {strides = array<i32>} : memref<5120xf32, #tpu.memory_space<vmem>>, vector<16xf32>,
    %get3A_1303 = vector.shape_cast %get3A_1302 : vector<16xf32> to vector<16xf32>
    %add3A_1304 = arith.addf %get3A_1300, %get3A_1303 : vector<16xf32>
    %get3A_1305 = arith.constant 4000 : index
    %get3A_1306 = tpu.vector_load %arg6[%get3A_1305] {strides = array<i32>} : memref<5120xf32, #tpu.memory_space<vmem>>, vector<16xf32>,
    %get3A_1307 = vector.shape_cast %get3A_1306 : vector<16xf32> to vector<16xf32>
    %add3A_1308 = arith.addf %add3A_1304, %get3A_1307 : vector<16xf32>
    %get3A_1309 = arith.constant 4512 : index
    %get3A_1310 = tpu.vector_load %arg6[%get3A_1309] {strides = array<i32>} : memref<5120xf32, #tpu.memory_space<vmem>>, vector<16xf32>,
    %get3A_1311 = vector.shape_cast %get3A_1310 : vector<16xf32> to vector<16xf32>
    %add3A_1312 = arith.addf %add3A_1308, %get3A_1311 : vector<16xf32>
    %get3A_1313 = arith.constant 5024 : index
    %get3A_1314 = tpu.vector_load %arg6[%get3A_1313] {strides = array<i32>} : memref<5120xf32, #tpu.memory_space<vmem>>, vector<16xf32>,
    %get3A_1315 = vector.shape_cast %get3A_1314 : vector<16xf32> to vector<16xf32>
    %add3A_1316 = arith.addf %add3A_1312, %get3A_1315 : vector<16xf32>
    %get3A_1317 = arith.constant 416 : index
    %get3A_1318 = tpu.vector_load %arg6[%get3A_1317] {strides = array<i32>} : memref<5120xf32, #tpu.memory_space<vmem>>, vector<16xf32>,
    %get3A_1319 = vector.shape_cast %get3A_1318 : vector<16xf32> to vector<16xf32>
    %sub3A_1320 = arith.subf %add3A_1316, %get3A_1319 : vector<16xf32>
    %get3A_1321 = arith.constant 928 : index
    %get3A_1322 = tpu.vector_load %arg6[%get3A_1321] {strides = array<i32>} : memref<5120xf32, #tpu.memory_space<vmem>>, vector<16xf32>,
    %get3A_1323 = vector.shape_cast %get3A_1322 : vector<16xf32> to vector<16xf32>
    %sub3A_1324 = arith.subf %sub3A_1320, %get3A_1323 : vector<16xf32>
    %get3A_1325 = arith.constant 1440 : index
    %get3A_1326 = tpu.vector_load %arg6[%get3A_1325] {strides = array<i32>} : memref<5120xf32, #tpu.memory_space<vmem>>, vector<16xf32>,
    %get3A_1327 = vector.shape_cast %get3A_1326 : vector<16xf32> to vector<16xf32>
    %sub3A_1328 = arith.subf %sub3A_1324, %get3A_1327 : vector<16xf32>
    %get3A_1329 = arith.constant 1952 : index
    %get3A_1330 = tpu.vector_load %arg6[%get3A_1329] {strides = array<i32>} : memref<5120xf32, #tpu.memory_space<vmem>>, vector<16xf32>,
    %get3A_1331 = vector.shape_cast %get3A_1330 : vector<16xf32> to vector<16xf32>
    %sub3A_1332 = arith.subf %sub3A_1328, %get3A_1331 : vector<16xf32>
    %get3A_1333 = arith.constant 2464 : index
    %get3A_1334 = tpu.vector_load %arg6[%get3A_1333] {strides = array<i32>} : memref<5120xf32, #tpu.memory_space<vmem>>, vector<16xf32>,
    %get3A_1335 = vector.shape_cast %get3A_1334 : vector<16xf32> to vector<16xf32>
    %sub3A_1336 = arith.subf %sub3A_1332, %get3A_1335 : vector<16xf32>
    %exp3A_1337 = math.exp %sub3A_1336 : vector<16xf32>
    %add3A_1338 = arith.constant 1.000000e+00 : f32
    %add3A_1339 = vector.broadcast %add3A_1338 : f32 to vector<16xf32>
    %add3A_1340 = arith.addf %add3A_1339, %exp3A_1337 : vector<16xf32>
    %div3A_1341 = arith.constant 1.000000e+00 : f32
    %div3A_1342 = vector.broadcast %div3A_1341 : f32 to vector<16xf32>
    %div3A_1343 = arith.divf %div3A_1342, %add3A_1340 : vector<16xf32>
    %swap3A_1344 = arith.constant 416 : index
    %swap3A_1345 = tpu.vector_load %arg7[%swap3A_1344] {strides = array<i32>} : memref<512xf32, #tpu.memory_space<vmem>>, vector<16xf32>,
    %swap3A_1346 = vector.shape_cast %swap3A_1345 : vector<16xf32> to vector<16xf32>
    %swap3A_1347 = vector.shape_cast %div3A_1343 : vector<16xf32> to vector<16xf32>
    tpu.vector_store %arg7[%swap3A_1344], %swap3A_1347 {strides = array<i32>} : memref<512xf32, #tpu.memory_space<vmem>>, vector<16xf32>,
    %get3A_1348 = arith.constant 2992 : index
    %get3A_1349 = tpu.vector_load %arg6[%get3A_1348] {strides = array<i32>} : memref<5120xf32, #tpu.memory_space<vmem>>, vector<16xf32>,
    %get3A_1350 = vector.shape_cast %get3A_1349 : vector<16xf32> to vector<16xf32>
    %get3A_1351 = arith.constant 3504 : index
    %get3A_1352 = tpu.vector_load %arg6[%get3A_1351] {strides = array<i32>} : memref<5120xf32, #tpu.memory_space<vmem>>, vector<16xf32>,
    %get3A_1353 = vector.shape_cast %get3A_1352 : vector<16xf32> to vector<16xf32>
    %add3A_1354 = arith.addf %get3A_1350, %get3A_1353 : vector<16xf32>
    %get3A_1355 = arith.constant 4016 : index
    %get3A_1356 = tpu.vector_load %arg6[%get3A_1355] {strides = array<i32>} : memref<5120xf32, #tpu.memory_space<vmem>>, vector<16xf32>,
    %get3A_1357 = vector.shape_cast %get3A_1356 : vector<16xf32> to vector<16xf32>
    %add3A_1358 = arith.addf %add3A_1354, %get3A_1357 : vector<16xf32>
    %get3A_1359 = arith.constant 4528 : index
    %get3A_1360 = tpu.vector_load %arg6[%get3A_1359] {strides = array<i32>} : memref<5120xf32, #tpu.memory_space<vmem>>, vector<16xf32>,
    %get3A_1361 = vector.shape_cast %get3A_1360 : vector<16xf32> to vector<16xf32>
    %add3A_1362 = arith.addf %add3A_1358, %get3A_1361 : vector<16xf32>
    %get3A_1363 = arith.constant 5040 : index
    %get3A_1364 = tpu.vector_load %arg6[%get3A_1363] {strides = array<i32>} : memref<5120xf32, #tpu.memory_space<vmem>>, vector<16xf32>,
    %get3A_1365 = vector.shape_cast %get3A_1364 : vector<16xf32> to vector<16xf32>
    %add3A_1366 = arith.addf %add3A_1362, %get3A_1365 : vector<16xf32>
    %get3A_1367 = arith.constant 432 : index
    %get3A_1368 = tpu.vector_load %arg6[%get3A_1367] {strides = array<i32>} : memref<5120xf32, #tpu.memory_space<vmem>>, vector<16xf32>,
    %get3A_1369 = vector.shape_cast %get3A_1368 : vector<16xf32> to vector<16xf32>
    %sub3A_1370 = arith.subf %add3A_1366, %get3A_1369 : vector<16xf32>
    %get3A_1371 = arith.constant 944 : index
    %get3A_1372 = tpu.vector_load %arg6[%get3A_1371] {strides = array<i32>} : memref<5120xf32, #tpu.memory_space<vmem>>, vector<16xf32>,
    %get3A_1373 = vector.shape_cast %get3A_1372 : vector<16xf32> to vector<16xf32>
    %sub3A_1374 = arith.subf %sub3A_1370, %get3A_1373 : vector<16xf32>
    %get3A_1375 = arith.constant 1456 : index
    %get3A_1376 = tpu.vector_load %arg6[%get3A_1375] {strides = array<i32>} : memref<5120xf32, #tpu.memory_space<vmem>>, vector<16xf32>,
    %get3A_1377 = vector.shape_cast %get3A_1376 : vector<16xf32> to vector<16xf32>
    %sub3A_1378 = arith.subf %sub3A_1374, %get3A_1377 : vector<16xf32>
    %get3A_1379 = arith.constant 1968 : index
    %get3A_1380 = tpu.vector_load %arg6[%get3A_1379] {strides = array<i32>} : memref<5120xf32, #tpu.memory_space<vmem>>, vector<16xf32>,
    %get3A_1381 = vector.shape_cast %get3A_1380 : vector<16xf32> to vector<16xf32>
    %sub3A_1382 = arith.subf %sub3A_1378, %get3A_1381 : vector<16xf32>
    %get3A_1383 = arith.constant 2480 : index
    %get3A_1384 = tpu.vector_load %arg6[%get3A_1383] {strides = array<i32>} : memref<5120xf32, #tpu.memory_space<vmem>>, vector<16xf32>,
    %get3A_1385 = vector.shape_cast %get3A_1384 : vector<16xf32> to vector<16xf32>
    %sub3A_1386 = arith.subf %sub3A_1382, %get3A_1385 : vector<16xf32>
    %exp3A_1387 = math.exp %sub3A_1386 : vector<16xf32>
    %add3A_1388 = arith.constant 1.000000e+00 : f32
    %add3A_1389 = vector.broadcast %add3A_1388 : f32 to vector<16xf32>
    %add3A_1390 = arith.addf %add3A_1389, %exp3A_1387 : vector<16xf32>
    %div3A_1391 = arith.constant 1.000000e+00 : f32
    %div3A_1392 = vector.broadcast %div3A_1391 : f32 to vector<16xf32>
    %div3A_1393 = arith.divf %div3A_1392, %add3A_1390 : vector<16xf32>
    %swap3A_1394 = arith.constant 432 : index
    %swap3A_1395 = tpu.vector_load %arg7[%swap3A_1394] {strides = array<i32>} : memref<512xf32, #tpu.memory_space<vmem>>, vector<16xf32>,
    %swap3A_1396 = vector.shape_cast %swap3A_1395 : vector<16xf32> to vector<16xf32>
    %swap3A_1397 = vector.shape_cast %div3A_1393 : vector<16xf32> to vector<16xf32>
    tpu.vector_store %arg7[%swap3A_1394], %swap3A_1397 {strides = array<i32>} : memref<512xf32, #tpu.memory_space<vmem>>, vector<16xf32>,
    %get3A_1398 = arith.constant 3008 : index
    %get3A_1399 = tpu.vector_load %arg6[%get3A_1398] {strides = array<i32>} : memref<5120xf32, #tpu.memory_space<vmem>>, vector<16xf32>,
    %get3A_1400 = vector.shape_cast %get3A_1399 : vector<16xf32> to vector<16xf32>
    %get3A_1401 = arith.constant 3520 : index
    %get3A_1402 = tpu.vector_load %arg6[%get3A_1401] {strides = array<i32>} : memref<5120xf32, #tpu.memory_space<vmem>>, vector<16xf32>,
    %get3A_1403 = vector.shape_cast %get3A_1402 : vector<16xf32> to vector<16xf32>
    %add3A_1404 = arith.addf %get3A_1400, %get3A_1403 : vector<16xf32>
    %get3A_1405 = arith.constant 4032 : index
    %get3A_1406 = tpu.vector_load %arg6[%get3A_1405] {strides = array<i32>} : memref<5120xf32, #tpu.memory_space<vmem>>, vector<16xf32>,
    %get3A_1407 = vector.shape_cast %get3A_1406 : vector<16xf32> to vector<16xf32>
    %add3A_1408 = arith.addf %add3A_1404, %get3A_1407 : vector<16xf32>
    %get3A_1409 = arith.constant 4544 : index
    %get3A_1410 = tpu.vector_load %arg6[%get3A_1409] {strides = array<i32>} : memref<5120xf32, #tpu.memory_space<vmem>>, vector<16xf32>,
    %get3A_1411 = vector.shape_cast %get3A_1410 : vector<16xf32> to vector<16xf32>
    %add3A_1412 = arith.addf %add3A_1408, %get3A_1411 : vector<16xf32>
    %get3A_1413 = arith.constant 5056 : index
    %get3A_1414 = tpu.vector_load %arg6[%get3A_1413] {strides = array<i32>} : memref<5120xf32, #tpu.memory_space<vmem>>, vector<16xf32>,
    %get3A_1415 = vector.shape_cast %get3A_1414 : vector<16xf32> to vector<16xf32>
    %add3A_1416 = arith.addf %add3A_1412, %get3A_1415 : vector<16xf32>
    %get3A_1417 = arith.constant 448 : index
    %get3A_1418 = tpu.vector_load %arg6[%get3A_1417] {strides = array<i32>} : memref<5120xf32, #tpu.memory_space<vmem>>, vector<16xf32>,
    %get3A_1419 = vector.shape_cast %get3A_1418 : vector<16xf32> to vector<16xf32>
    %sub3A_1420 = arith.subf %add3A_1416, %get3A_1419 : vector<16xf32>
    %get3A_1421 = arith.constant 960 : index
    %get3A_1422 = tpu.vector_load %arg6[%get3A_1421] {strides = array<i32>} : memref<5120xf32, #tpu.memory_space<vmem>>, vector<16xf32>,
    %get3A_1423 = vector.shape_cast %get3A_1422 : vector<16xf32> to vector<16xf32>
    %sub3A_1424 = arith.subf %sub3A_1420, %get3A_1423 : vector<16xf32>
    %get3A_1425 = arith.constant 1472 : index
    %get3A_1426 = tpu.vector_load %arg6[%get3A_1425] {strides = array<i32>} : memref<5120xf32, #tpu.memory_space<vmem>>, vector<16xf32>,
    %get3A_1427 = vector.shape_cast %get3A_1426 : vector<16xf32> to vector<16xf32>
    %sub3A_1428 = arith.subf %sub3A_1424, %get3A_1427 : vector<16xf32>
    %get3A_1429 = arith.constant 1984 : index
    %get3A_1430 = tpu.vector_load %arg6[%get3A_1429] {strides = array<i32>} : memref<5120xf32, #tpu.memory_space<vmem>>, vector<16xf32>,
    %get3A_1431 = vector.shape_cast %get3A_1430 : vector<16xf32> to vector<16xf32>
    %sub3A_1432 = arith.subf %sub3A_1428, %get3A_1431 : vector<16xf32>
    %get3A_1433 = arith.constant 2496 : index
    %get3A_1434 = tpu.vector_load %arg6[%get3A_1433] {strides = array<i32>} : memref<5120xf32, #tpu.memory_space<vmem>>, vector<16xf32>,
    %get3A_1435 = vector.shape_cast %get3A_1434 : vector<16xf32> to vector<16xf32>
    %sub3A_1436 = arith.subf %sub3A_1432, %get3A_1435 : vector<16xf32>
    %exp3A_1437 = math.exp %sub3A_1436 : vector<16xf32>
    %add3A_1438 = arith.constant 1.000000e+00 : f32
    %add3A_1439 = vector.broadcast %add3A_1438 : f32 to vector<16xf32>
    %add3A_1440 = arith.addf %add3A_1439, %exp3A_1437 : vector<16xf32>
    %div3A_1441 = arith.constant 1.000000e+00 : f32
    %div3A_1442 = vector.broadcast %div3A_1441 : f32 to vector<16xf32>
    %div3A_1443 = arith.divf %div3A_1442, %add3A_1440 : vector<16xf32>
    %swap3A_1444 = arith.constant 448 : index
    %swap3A_1445 = tpu.vector_load %arg7[%swap3A_1444] {strides = array<i32>} : memref<512xf32, #tpu.memory_space<vmem>>, vector<16xf32>,
    %swap3A_1446 = vector.shape_cast %swap3A_1445 : vector<16xf32> to vector<16xf32>
    %swap3A_1447 = vector.shape_cast %div3A_1443 : vector<16xf32> to vector<16xf32>
    tpu.vector_store %arg7[%swap3A_1444], %swap3A_1447 {strides = array<i32>} : memref<512xf32, #tpu.memory_space<vmem>>, vector<16xf32>,
    %get3A_1448 = arith.constant 3024 : index
    %get3A_1449 = tpu.vector_load %arg6[%get3A_1448] {strides = array<i32>} : memref<5120xf32, #tpu.memory_space<vmem>>, vector<16xf32>,
    %get3A_1450 = vector.shape_cast %get3A_1449 : vector<16xf32> to vector<16xf32>
    %get3A_1451 = arith.constant 3536 : index
    %get3A_1452 = tpu.vector_load %arg6[%get3A_1451] {strides = array<i32>} : memref<5120xf32, #tpu.memory_space<vmem>>, vector<16xf32>,
    %get3A_1453 = vector.shape_cast %get3A_1452 : vector<16xf32> to vector<16xf32>
    %add3A_1454 = arith.addf %get3A_1450, %get3A_1453 : vector<16xf32>
    %get3A_1455 = arith.constant 4048 : index
    %get3A_1456 = tpu.vector_load %arg6[%get3A_1455] {strides = array<i32>} : memref<5120xf32, #tpu.memory_space<vmem>>, vector<16xf32>,
    %get3A_1457 = vector.shape_cast %get3A_1456 : vector<16xf32> to vector<16xf32>
    %add3A_1458 = arith.addf %add3A_1454, %get3A_1457 : vector<16xf32>
    %get3A_1459 = arith.constant 4560 : index
    %get3A_1460 = tpu.vector_load %arg6[%get3A_1459] {strides = array<i32>} : memref<5120xf32, #tpu.memory_space<vmem>>, vector<16xf32>,
    %get3A_1461 = vector.shape_cast %get3A_1460 : vector<16xf32> to vector<16xf32>
    %add3A_1462 = arith.addf %add3A_1458, %get3A_1461 : vector<16xf32>
    %get3A_1463 = arith.constant 5072 : index
    %get3A_1464 = tpu.vector_load %arg6[%get3A_1463] {strides = array<i32>} : memref<5120xf32, #tpu.memory_space<vmem>>, vector<16xf32>,
    %get3A_1465 = vector.shape_cast %get3A_1464 : vector<16xf32> to vector<16xf32>
    %add3A_1466 = arith.addf %add3A_1462, %get3A_1465 : vector<16xf32>
    %get3A_1467 = arith.constant 464 : index
    %get3A_1468 = tpu.vector_load %arg6[%get3A_1467] {strides = array<i32>} : memref<5120xf32, #tpu.memory_space<vmem>>, vector<16xf32>,
    %get3A_1469 = vector.shape_cast %get3A_1468 : vector<16xf32> to vector<16xf32>
    %sub3A_1470 = arith.subf %add3A_1466, %get3A_1469 : vector<16xf32>
    %get3A_1471 = arith.constant 976 : index
    %get3A_1472 = tpu.vector_load %arg6[%get3A_1471] {strides = array<i32>} : memref<5120xf32, #tpu.memory_space<vmem>>, vector<16xf32>,
    %get3A_1473 = vector.shape_cast %get3A_1472 : vector<16xf32> to vector<16xf32>
    %sub3A_1474 = arith.subf %sub3A_1470, %get3A_1473 : vector<16xf32>
    %get3A_1475 = arith.constant 1488 : index
    %get3A_1476 = tpu.vector_load %arg6[%get3A_1475] {strides = array<i32>} : memref<5120xf32, #tpu.memory_space<vmem>>, vector<16xf32>,
    %get3A_1477 = vector.shape_cast %get3A_1476 : vector<16xf32> to vector<16xf32>
    %sub3A_1478 = arith.subf %sub3A_1474, %get3A_1477 : vector<16xf32>
    %get3A_1479 = arith.constant 2000 : index
    %get3A_1480 = tpu.vector_load %arg6[%get3A_1479] {strides = array<i32>} : memref<5120xf32, #tpu.memory_space<vmem>>, vector<16xf32>,
    %get3A_1481 = vector.shape_cast %get3A_1480 : vector<16xf32> to vector<16xf32>
    %sub3A_1482 = arith.subf %sub3A_1478, %get3A_1481 : vector<16xf32>
    %get3A_1483 = arith.constant 2512 : index
    %get3A_1484 = tpu.vector_load %arg6[%get3A_1483] {strides = array<i32>} : memref<5120xf32, #tpu.memory_space<vmem>>, vector<16xf32>,
    %get3A_1485 = vector.shape_cast %get3A_1484 : vector<16xf32> to vector<16xf32>
    %sub3A_1486 = arith.subf %sub3A_1482, %get3A_1485 : vector<16xf32>
    %exp3A_1487 = math.exp %sub3A_1486 : vector<16xf32>
    %add3A_1488 = arith.constant 1.000000e+00 : f32
    %add3A_1489 = vector.broadcast %add3A_1488 : f32 to vector<16xf32>
    %add3A_1490 = arith.addf %add3A_1489, %exp3A_1487 : vector<16xf32>
    %div3A_1491 = arith.constant 1.000000e+00 : f32
    %div3A_1492 = vector.broadcast %div3A_1491 : f32 to vector<16xf32>
    %div3A_1493 = arith.divf %div3A_1492, %add3A_1490 : vector<16xf32>
    %swap3A_1494 = arith.constant 464 : index
    %swap3A_1495 = tpu.vector_load %arg7[%swap3A_1494] {strides = array<i32>} : memref<512xf32, #tpu.memory_space<vmem>>, vector<16xf32>,
    %swap3A_1496 = vector.shape_cast %swap3A_1495 : vector<16xf32> to vector<16xf32>
    %swap3A_1497 = vector.shape_cast %div3A_1493 : vector<16xf32> to vector<16xf32>
    tpu.vector_store %arg7[%swap3A_1494], %swap3A_1497 {strides = array<i32>} : memref<512xf32, #tpu.memory_space<vmem>>, vector<16xf32>,
    %get3A_1498 = arith.constant 3040 : index
    %get3A_1499 = tpu.vector_load %arg6[%get3A_1498] {strides = array<i32>} : memref<5120xf32, #tpu.memory_space<vmem>>, vector<16xf32>,
    %get3A_1500 = vector.shape_cast %get3A_1499 : vector<16xf32> to vector<16xf32>
    %get3A_1501 = arith.constant 3552 : index
    %get3A_1502 = tpu.vector_load %arg6[%get3A_1501] {strides = array<i32>} : memref<5120xf32, #tpu.memory_space<vmem>>, vector<16xf32>,
    %get3A_1503 = vector.shape_cast %get3A_1502 : vector<16xf32> to vector<16xf32>
    %add3A_1504 = arith.addf %get3A_1500, %get3A_1503 : vector<16xf32>
    %get3A_1505 = arith.constant 4064 : index
    %get3A_1506 = tpu.vector_load %arg6[%get3A_1505] {strides = array<i32>} : memref<5120xf32, #tpu.memory_space<vmem>>, vector<16xf32>,
    %get3A_1507 = vector.shape_cast %get3A_1506 : vector<16xf32> to vector<16xf32>
    %add3A_1508 = arith.addf %add3A_1504, %get3A_1507 : vector<16xf32>
    %get3A_1509 = arith.constant 4576 : index
    %get3A_1510 = tpu.vector_load %arg6[%get3A_1509] {strides = array<i32>} : memref<5120xf32, #tpu.memory_space<vmem>>, vector<16xf32>,
    %get3A_1511 = vector.shape_cast %get3A_1510 : vector<16xf32> to vector<16xf32>
    %add3A_1512 = arith.addf %add3A_1508, %get3A_1511 : vector<16xf32>
    %get3A_1513 = arith.constant 5088 : index
    %get3A_1514 = tpu.vector_load %arg6[%get3A_1513] {strides = array<i32>} : memref<5120xf32, #tpu.memory_space<vmem>>, vector<16xf32>,
    %get3A_1515 = vector.shape_cast %get3A_1514 : vector<16xf32> to vector<16xf32>
    %add3A_1516 = arith.addf %add3A_1512, %get3A_1515 : vector<16xf32>
    %get3A_1517 = arith.constant 480 : index
    %get3A_1518 = tpu.vector_load %arg6[%get3A_1517] {strides = array<i32>} : memref<5120xf32, #tpu.memory_space<vmem>>, vector<16xf32>,
    %get3A_1519 = vector.shape_cast %get3A_1518 : vector<16xf32> to vector<16xf32>
    %sub3A_1520 = arith.subf %add3A_1516, %get3A_1519 : vector<16xf32>
    %get3A_1521 = arith.constant 992 : index
    %get3A_1522 = tpu.vector_load %arg6[%get3A_1521] {strides = array<i32>} : memref<5120xf32, #tpu.memory_space<vmem>>, vector<16xf32>,
    %get3A_1523 = vector.shape_cast %get3A_1522 : vector<16xf32> to vector<16xf32>
    %sub3A_1524 = arith.subf %sub3A_1520, %get3A_1523 : vector<16xf32>
    %get3A_1525 = arith.constant 1504 : index
    %get3A_1526 = tpu.vector_load %arg6[%get3A_1525] {strides = array<i32>} : memref<5120xf32, #tpu.memory_space<vmem>>, vector<16xf32>,
    %get3A_1527 = vector.shape_cast %get3A_1526 : vector<16xf32> to vector<16xf32>
    %sub3A_1528 = arith.subf %sub3A_1524, %get3A_1527 : vector<16xf32>
    %get3A_1529 = arith.constant 2016 : index
    %get3A_1530 = tpu.vector_load %arg6[%get3A_1529] {strides = array<i32>} : memref<5120xf32, #tpu.memory_space<vmem>>, vector<16xf32>,
    %get3A_1531 = vector.shape_cast %get3A_1530 : vector<16xf32> to vector<16xf32>
    %sub3A_1532 = arith.subf %sub3A_1528, %get3A_1531 : vector<16xf32>
    %get3A_1533 = arith.constant 2528 : index
    %get3A_1534 = tpu.vector_load %arg6[%get3A_1533] {strides = array<i32>} : memref<5120xf32, #tpu.memory_space<vmem>>, vector<16xf32>,
    %get3A_1535 = vector.shape_cast %get3A_1534 : vector<16xf32> to vector<16xf32>
    %sub3A_1536 = arith.subf %sub3A_1532, %get3A_1535 : vector<16xf32>
    %exp3A_1537 = math.exp %sub3A_1536 : vector<16xf32>
    %add3A_1538 = arith.constant 1.000000e+00 : f32
    %add3A_1539 = vector.broadcast %add3A_1538 : f32 to vector<16xf32>
    %add3A_1540 = arith.addf %add3A_1539, %exp3A_1537 : vector<16xf32>
    %div3A_1541 = arith.constant 1.000000e+00 : f32
    %div3A_1542 = vector.broadcast %div3A_1541 : f32 to vector<16xf32>
    %div3A_1543 = arith.divf %div3A_1542, %add3A_1540 : vector<16xf32>
    %swap3A_1544 = arith.constant 480 : index
    %swap3A_1545 = tpu.vector_load %arg7[%swap3A_1544] {strides = array<i32>} : memref<512xf32, #tpu.memory_space<vmem>>, vector<16xf32>,
    %swap3A_1546 = vector.shape_cast %swap3A_1545 : vector<16xf32> to vector<16xf32>
    %swap3A_1547 = vector.shape_cast %div3A_1543 : vector<16xf32> to vector<16xf32>
    tpu.vector_store %arg7[%swap3A_1544], %swap3A_1547 {strides = array<i32>} : memref<512xf32, #tpu.memory_space<vmem>>, vector<16xf32>,
    %get3A_1548 = arith.constant 3056 : index
    %get3A_1549 = tpu.vector_load %arg6[%get3A_1548] {strides = array<i32>} : memref<5120xf32, #tpu.memory_space<vmem>>, vector<16xf32>,
    %get3A_1550 = vector.shape_cast %get3A_1549 : vector<16xf32> to vector<16xf32>
    %get3A_1551 = arith.constant 3568 : index
    %get3A_1552 = tpu.vector_load %arg6[%get3A_1551] {strides = array<i32>} : memref<5120xf32, #tpu.memory_space<vmem>>, vector<16xf32>,
    %get3A_1553 = vector.shape_cast %get3A_1552 : vector<16xf32> to vector<16xf32>
    %add3A_1554 = arith.addf %get3A_1550, %get3A_1553 : vector<16xf32>
    %get3A_1555 = arith.constant 4080 : index
    %get3A_1556 = tpu.vector_load %arg6[%get3A_1555] {strides = array<i32>} : memref<5120xf32, #tpu.memory_space<vmem>>, vector<16xf32>,
    %get3A_1557 = vector.shape_cast %get3A_1556 : vector<16xf32> to vector<16xf32>
    %add3A_1558 = arith.addf %add3A_1554, %get3A_1557 : vector<16xf32>
    %get3A_1559 = arith.constant 4592 : index
    %get3A_1560 = tpu.vector_load %arg6[%get3A_1559] {strides = array<i32>} : memref<5120xf32, #tpu.memory_space<vmem>>, vector<16xf32>,
    %get3A_1561 = vector.shape_cast %get3A_1560 : vector<16xf32> to vector<16xf32>
    %add3A_1562 = arith.addf %add3A_1558, %get3A_1561 : vector<16xf32>
    %get3A_1563 = arith.constant 5104 : index
    %get3A_1564 = tpu.vector_load %arg6[%get3A_1563] {strides = array<i32>} : memref<5120xf32, #tpu.memory_space<vmem>>, vector<16xf32>,
    %get3A_1565 = vector.shape_cast %get3A_1564 : vector<16xf32> to vector<16xf32>
    %add3A_1566 = arith.addf %add3A_1562, %get3A_1565 : vector<16xf32>
    %get3A_1567 = arith.constant 496 : index
    %get3A_1568 = tpu.vector_load %arg6[%get3A_1567] {strides = array<i32>} : memref<5120xf32, #tpu.memory_space<vmem>>, vector<16xf32>,
    %get3A_1569 = vector.shape_cast %get3A_1568 : vector<16xf32> to vector<16xf32>
    %sub3A_1570 = arith.subf %add3A_1566, %get3A_1569 : vector<16xf32>
    %get3A_1571 = arith.constant 1008 : index
    %get3A_1572 = tpu.vector_load %arg6[%get3A_1571] {strides = array<i32>} : memref<5120xf32, #tpu.memory_space<vmem>>, vector<16xf32>,
    %get3A_1573 = vector.shape_cast %get3A_1572 : vector<16xf32> to vector<16xf32>
    %sub3A_1574 = arith.subf %sub3A_1570, %get3A_1573 : vector<16xf32>
    %get3A_1575 = arith.constant 1520 : index
    %get3A_1576 = tpu.vector_load %arg6[%get3A_1575] {strides = array<i32>} : memref<5120xf32, #tpu.memory_space<vmem>>, vector<16xf32>,
    %get3A_1577 = vector.shape_cast %get3A_1576 : vector<16xf32> to vector<16xf32>
    %sub3A_1578 = arith.subf %sub3A_1574, %get3A_1577 : vector<16xf32>
    %get3A_1579 = arith.constant 2032 : index
    %get3A_1580 = tpu.vector_load %arg6[%get3A_1579] {strides = array<i32>} : memref<5120xf32, #tpu.memory_space<vmem>>, vector<16xf32>,
    %get3A_1581 = vector.shape_cast %get3A_1580 : vector<16xf32> to vector<16xf32>
    %sub3A_1582 = arith.subf %sub3A_1578, %get3A_1581 : vector<16xf32>
    %get3A_1583 = arith.constant 2544 : index
    %get3A_1584 = tpu.vector_load %arg6[%get3A_1583] {strides = array<i32>} : memref<5120xf32, #tpu.memory_space<vmem>>, vector<16xf32>,
    %get3A_1585 = vector.shape_cast %get3A_1584 : vector<16xf32> to vector<16xf32>
    %sub3A_1586 = arith.subf %sub3A_1582, %get3A_1585 : vector<16xf32>
    %exp3A_1587 = math.exp %sub3A_1586 : vector<16xf32>
    %add3A_1588 = arith.constant 1.000000e+00 : f32
    %add3A_1589 = vector.broadcast %add3A_1588 : f32 to vector<16xf32>
    %add3A_1590 = arith.addf %add3A_1589, %exp3A_1587 : vector<16xf32>
    %div3A_1591 = arith.constant 1.000000e+00 : f32
    %div3A_1592 = vector.broadcast %div3A_1591 : f32 to vector<16xf32>
    %div3A_1593 = arith.divf %div3A_1592, %add3A_1590 : vector<16xf32>
    %swap3A_1594 = arith.constant 496 : index
    %swap3A_1595 = tpu.vector_load %arg7[%swap3A_1594] {strides = array<i32>} : memref<512xf32, #tpu.memory_space<vmem>>, vector<16xf32>,
    %swap3A_1596 = vector.shape_cast %swap3A_1595 : vector<16xf32> to vector<16xf32>
    %swap3A_1597 = vector.shape_cast %div3A_1593 : vector<16xf32> to vector<16xf32>
    tpu.vector_store %arg7[%swap3A_1594], %swap3A_1597 {strides = array<i32>} : memref<512xf32, #tpu.memory_space<vmem>>, vector<16xf32>,
    %mul3A_1598 = arith.constant 512 : i32
    %mul3A_1599 = arith.muli %add3A, %mul3A_1598 : i32
    "tpu.region"() ({
      %run_scoped3A = tpu.sem_alloc : memref<!tpu.dma_semaphore, #tpu.memory_space<semaphore_mem>>
      %dma_start3A_1600 = tpu.memref_slice %arg4[%mul3A_1599] : memref<16384xf32, #tpu.memory_space<hbm>> -> memref<512xf32, #tpu.memory_space<hbm>>
      %dma_start3A_1601 = tpu.memref_slice %arg4[%mul3A_1599] : memref<16384xf32, #tpu.memory_space<hbm>> -> memref<512xf32, #tpu.memory_space<hbm>>
      tpu.enqueue_dma source(%arg7 : memref<512xf32, #tpu.memory_space<vmem>>) target(%dma_start3A_1601 : memref<512xf32, #tpu.memory_space<hbm>>) target_semaphore(%run_scoped3A : memref<!tpu.dma_semaphore, #tpu.memory_space<semaphore_mem>>)
      %dma_wait3A_1602 = tpu.memref_slice %arg4[%mul3A_1599] : memref<16384xf32, #tpu.memory_space<hbm>> -> memref<512xf32, #tpu.memory_space<hbm>>
      %dma_wait3A_1603 = tpu.memref_slice %arg4[%mul3A_1599] : memref<16384xf32, #tpu.memory_space<hbm>> -> memref<512xf32, #tpu.memory_space<hbm>>
      tpu.wait_dma2 semaphore(%run_scoped3A : memref<!tpu.dma_semaphore, #tpu.memory_space<semaphore_mem>>) src(%arg7 : memref<512xf32, #tpu.memory_space<vmem>>) dst(%dma_wait3A_1603 : memref<512xf32, #tpu.memory_space<hbm>>)
      tpu.yield
    }) : () -> ()
    return
  }
}

</mosaic_0001>

<sc_bundles>
// kernel: kernel.3.cloned.1.call-start
scs
__scs_entry_jumppad:
0x0: {  	(pc) =	sbr.rel $0x88, $3  }
0x1: {  	(tag) =	ssettag $0x0;
	lr =	simm.s32 $0x1  }
0x2: {  	[smem:$0x3F9F] =	sst lr;
	_ =	strace $0xD0000000  }
0x3: {  	_ = 	snop  }
0x4: {  	_ = 	snop  }
0x5: {  	_ = 	snop  }
0x6: {  	_ = 	snop  }
0x7: {  	_ = 	snop  }
__scs_overlays_trampoline_lowered:
0x8: {  	[smem:$0x3FAE] =	sst s0  }
0x9: {  	[smem:$0x3FAF] =	sst s1  }
0xa: {  	[smem:$0x3FB0] =	sst s2  }
0xb: {  	[smem:$0x3FB1] =	sst s3  }
0xc: {  	[smem:$0x3FB2] =	sst s4  }
0xd: {  	[smem:$0x3FB3] =	sst s5  }
0xe: {  	[smem:$0x3FB4] =	sst s6  }
0xf: {  	[smem:$0x3FB5] =	sst s7  }
0x10: {  	[smem:$0x3FB6] =	sst s8  }
0x11: {  	[smem:$0x3FB7] =	sst s9;
	s0 =	simm.s32 @!p0 $0x0  }
0x12: {  	s1 =	sld [smem:$0x3F9D];
	s0 =	simm.s32 @p0 $0x1  }
0x13: {  	[smem:$0x3FB8] =	sst s0;
	s0 =	simm.s32 @!p1 $0x0  }
0x14: {  	s2 =	sld [smem:$0x3F9C];
	s0 =	simm.s32 @p1 $0x1  }
0x15: {  	[smem:$0x3FB9] =	sst s0;
	s0 =	simm.s32 @!p2 $0x0  }
0x16: {  	s3 =	sld [smem:$0x3FDB];
	s0 =	simm.s32 @p2 $0x1  }
0x17: {  	s4 =	simm.s32 $0x1BF5;
	[smem:$0x3FBB] =	sst s0  }
0x18: {  	s0 =	sld [smem:$0x3F9E];
	_ =	swait.ge [sflag:s4], $0x0  }
0x19: {  	s7 =	sld [smem:$0x3F9F]  }
0x1a: {  	s8 =	sadd.s32 $0xFFFFE003, lr  }
0x1b: {  	s9 =	sadd.s32 $0xFFFFFEF7, lr;
	s5 =	simm.s32 $0xFFFFFFFF;
	p2 =	slt.u32 s8, $0xFFFFF086  }
0x1c: {  	p1 =	slt.u32 s9, $0xF7A;
	s5 =	simm.s32 @!p2 $0x0  }
0x1d: {  	s5 =	simm.s32 @p1 $0x1;
	p0 =	seq.s32 s7, s2  }
0x1e: {  	s7 =	smul.u32 @!p0 $0xF7A, s2;
	p2 =	seq.s32 @!p0 s5, $0x0  }
0x1f: {  	s9 =	smul.u32 $0xF7A, s1;
	s8 =	simm.s32 @!p0 $0x1BF5;
	p2 =	por !p2, p0  }
0x20: {  	[sflag:s8] =	ssyncset.s32 @!p0 $0xFFFFF086;
	s6 =	sadd.s32 @!p0 s3, s7;
	s7 =	simm.s32 @!p0 $0x108  }
0x21: {  	s3 =	sadd.s32 s3, s9;
	s6 =	sadd.s32 @!p0 $0x88, s6;
	s7 =	simm.s32 @p2 $0x1082  }
0x22: {  	[simem:s7], [sflag:s8] =	dma.local @!p0 [hbm:s6], $0xF7A  }
0x23: {  	s9 =	sor.u32 $0xD0000000, s2;
	s6 =	simm.s32 $0x108;
	_ =	swait.ge @!p0 [sflag:s8], $0x0  }
0x24: {  	s3 =	sadd.s32 $0x88, s3;
	s6 =	simm.s32 @!p1 $0x1082;
	[sflag:s4] =	ssyncset.s32 $0xFFFFF086  }
0x25: {  	[simem:s6], [sflag:s4] =	dma.local [hbm:s3], $0xF7A  }
0x26: {  	[smem:$0x3F9F] =	sst s1;
	(tag) =	ssettag s2;
	_ =	strace s9  }
0x27: {  	s1 =	sld [smem:$0x3FAF]  }
0x28: {  	s2 =	sld [smem:$0x3FB0]  }
0x29: {  	s4 =	sld [smem:$0x3FB2]  }
0x2a: {  	p0 =	seq.s32 s5, $0x0;
	s5 =	sld [smem:$0x3FB3]  }
0x2b: {  	s6 =	sld [smem:$0x3FB4]  }
0x2c: {  	s7 =	sld [smem:$0x3FB5]  }
0x2d: {  	s3 =	simm.s32 $0x108;
	s8 =	sld [smem:$0x3FB6]  }
0x2e: {  	s3 =	simm.s32 @!p0 $0x1082;
	s9 =	sld [smem:$0x3FB7]  }
0x2f: {  	lr =	sadd.s32 s0, s3;
	s0 =	sld [smem:$0x3FAE]  }
0x30: {  	s3 =	sld [smem:$0x3FB1]  }
0x31: {  	[smem:$0x3FBA] =	sst s10  }
0x32: {  	s10 =	sld [smem:$0x3FB8];
	_ =	sdelay $0x3  }
0x33: {  	p0 =	seq.s32 s10, $0x1;
	s10 =	sld [smem:$0x3FBA];
	_ =	sdelay $0x3  }
0x34: {  	[smem:$0x3FBA] =	sst s10  }
0x35: {  	s10 =	sld [smem:$0x3FB9];
	_ =	sdelay $0x3  }
0x36: {  	p1 =	seq.s32 s10, $0x1;
	s10 =	sld [smem:$0x3FBA];
	_ =	sdelay $0x3  }
0x37: {  	[smem:$0x3FBA] =	sst s10  }
0x38: {  	s10 =	sld [smem:$0x3FBB]  }
0x39: {  	_ = 	snop;
	(pc) =	sbr.ind lr, $3  }
0x3a: {  	_ = 	snop  }
0x3b: {  	_ = 	snop  }
0x3c: {  	p2 =	seq.s32 s10, $0x1;
	s10 =	sld [smem:$0x3FBA]  }
0x3d: {  	_ =	shalt  }
0x3e: {  	_ =	shalt  }
0x3f: {  	_ =	shalt  }
0x40: {  	_ =	shalt  }
0x41: {  	_ =	shalt  }
0x42: {  	_ =	shalt  }
0x43: {  	_ =	shalt  }
0x44: {  	_ =	shalt  }
0x45: {  	_ =	shalt  }
0x46: {  	_ =	shalt  }
0x47: {  	_ =	shalt  }
0x48: {  	_ =	shalt  }
0x49: {  	_ =	shalt  }
0x4a: {  	_ =	shalt  }
0x4b: {  	_ =	shalt  }
0x4c: {  	_ =	shalt  }
0x4d: {  	_ =	shalt  }
0x4e: {  	_ =	shalt  }
0x4f: {  	_ =	shalt  }
0x50: {  	_ =	shalt  }
0x51: {  	_ =	shalt  }
0x52: {  	_ =	shalt  }
0x53: {  	_ =	shalt  }
0x54: {  	_ =	shalt  }
0x55: {  	_ =	shalt  }
0x56: {  	_ =	shalt  }
0x57: {  	_ =	shalt  }
0x58: {  	_ =	shalt  }
0x59: {  	_ =	shalt  }
0x5a: {  	_ =	shalt  }
0x5b: {  	_ =	shalt  }
0x5c: {  	_ =	shalt  }
0x5d: {  	_ =	shalt  }
0x5e: {  	_ =	shalt  }
0x5f: {  	_ =	shalt  }
0x60: {  	_ =	shalt  }
0x61: {  	_ =	shalt  }
0x62: {  	_ =	shalt  }
0x63: {  	_ =	shalt  }
0x64: {  	_ =	shalt  }
0x65: {  	_ =	shalt  }
0x66: {  	_ =	shalt  }
0x67: {  	_ =	shalt  }
0x68: {  	_ =	shalt  }
0x69: {  	_ =	shalt  }
0x6a: {  	_ =	shalt  }
0x6b: {  	_ =	shalt  }
0x6c: {  	_ =	shalt  }
0x6d: {  	_ =	shalt  }
0x6e: {  	_ =	shalt  }
0x6f: {  	_ =	shalt  }
0x70: {  	_ =	shalt  }
0x71: {  	_ =	shalt  }
0x72: {  	_ =	shalt  }
0x73: {  	_ =	shalt  }
0x74: {  	_ =	shalt  }
0x75: {  	_ =	shalt  }
0x76: {  	_ =	shalt  }
0x77: {  	_ =	shalt  }
0x78: {  	_ =	shalt  }
0x79: {  	_ =	shalt  }
0x7a: {  	_ =	shalt  }
0x7b: {  	_ =	shalt  }
0x7c: {  	_ =	shalt  }
0x7d: {  	_ =	shalt  }
0x7e: {  	_ =	shalt  }
0x7f: {  	_ =	shalt  }
0x80: {  	_ =	shalt  }
0x81: {  	_ =	shalt  }
0x82: {  	_ =	shalt  }
0x83: {  	_ =	shalt  }
0x84: {  	_ =	shalt  }
0x85: {  	_ =	shalt  }
0x86: {  	_ =	shalt  }
0x87: {  	_ =	shalt  }
.Lfunc_end0:
.L_simem_size_0:
called_computation_lowered:
.L_overlay_start_0:
0x88: {  	s2 =	sld [smem:$0x3FD9]  }
0x89: {  	s3 =	sld [smem:$0x3FFE];
	_ =	sdelay $0x1  }
0x8a: {  	s1 =	srdreg.scid  }
0x8b: {  	s0 =	sand.u32 $0x1, s1  }
0x8c: {  	s17 =	sshll.u32 s0, $0xA;
	s2 =	sadd.s32 s3, s2  }
0x8d: {  	s2 =	sadd.s32 s2, s17  }
0x8e: {  	[smem:$0x3FC6] =	sst s2  }
0x8f: {  	_ = 	snop  }
0x90: {  	s2 =	sld [smem:$0x3FD0];
	(tm) =	ssettm $0x1  }
0x91: {  	s18 =	sld [smem:$0x3FFB];
	_ =	sdelay $0x3  }
0x92: {  	_ =	strace s18  }
0x93: {  	s3 =	sld [smem:$0x3FFC];
	_ =	sdelay $0x3  }
0x94: {  	_ =	strace s3  }
0x95: {  	s3 =	sld [smem:$0x3FFD];
	_ =	sdelay $0x3  }
0x96: {  	_ =	strace s3  }
0x97: {  	_ =	strace $0x8FFFFFFF  }
0x98: {  	s19 =	sld [smem:$0x3FDB];
	_ =	sdelay $0x1  }
0x99: {  	s4 =	simm.s32 $_scs_section_size  }
0x9a: {  	s5 =	simm.s32 $_size__tile_overlayer_lowered;
	s6 =	simm.s32 $_tile_overlayer_lowered  }
0x9b: {  	s22 =	simm.s32 $0x1BFF;
	s21 =	sshll.u32 s6, $0x1;
	s3 =	sadd.s32 s4, s19  }
0x9c: {  	s7 =	simm.s32 $0x0;
	s20 =	sshll.u32 s5, $0x1;
	s5 =	sadd.s32 s21, s3  }
0x9d: {  	[timem:s7], [sflag:s22] =	dma.local [hbm:s5], s20  }
0x9e: {  	_ =	swait.ge [sflag:s22], s20  }
0x9f: {  	s4 =	ssub.s32 $0x0, s20;
	[sflag:s22] =	ssyncset.done $0x0  }
0xa0: {  	[sflag:s22] =	ssyncadd.s32 s4;
	_ =	sdelay $0x1  }
0xa1: {  	s23 =	simm.s32 $0x1B8B  }
0xa2: {  	_ =	swait.ge [sflag:s23], $0x1  }
0xa3: {  	[sflag:s23] =	ssyncset.done $0x0  }
0xa4: {  	s25 =	simm.s32 $0x1B8E;
	s24 =	sld [smem:$0x3FFE];
	[sflag:s23] =	ssyncadd.s32 $0xFFFFFFFF  }
0xa5: {  	s26 =	simm.s32 $execute0_lowered;
	[smem:$0x3FD2] =	sst s25  }
0xa6: {  	s5 =	sshll.u32 s26, $0x1;
	_ =	strace $0x80000046;
	[dreg:$0x1] =	wrdreg $0xFFFFFFFF  }
0xa7: {  	s28 =	simm.s32 $_size_execute0_lowered;
	s3 =	sadd.s32 s3, s5;
	[dreg:$0x0] =	wrdreg $0x0  }
0xa8: {  	s5 =	sshll.u32 s28, $0x1;
	[dreg:$0x2] =	wrdreg s3  }
0xa9: {  	[dreg:$0x3] =	wrdreg s5  }
0xaa: {  	[dreg:$0x4] =	wrdreg $0xC0  }
0xab: {  	_ =	task [dreg:s7], $0x5FFFF  }
0xac: {  	[dreg:$0x1] =	wrdreg $0xFFFFFFFF  }
0xad: {  	[dreg:$0x0] =	wrdreg $0x60  }
0xae: {  	[dreg:$0x2] =	wrdreg s24  }
0xaf: {  	[dreg:$0x3] =	wrdreg s2  }
0xb0: {  	[dreg:$0x4] =	wrdreg $0x9  }
0xb1: {  	_ =	task.clear_ibuf [dreg:s7], $0x5FFFF;
	_ =	strace $0x90000046  }
0xb2: {  	s29 =	simm.s32 $0x9;
	_ =	strace $0x80000048  }
0xb3: {  	_ =	swait.ge [sflag:s29], $0x1  }
0xb4: {  	[sflag:s29] =	ssyncadd.s32 $0xFFFFFFFF  }
0xb5: {  	_ =	strace $0x90000048  }
0xb6: {  	_ =	sfence  }
0xb7: {  	s30 =	sld [smem:$0x0];
	_ =	sdelay $0x2  }
0xb8: {  	s31 =	sshll.u32 s1, $0xD;
	s1 =	sshrl.u32 s1, $0x2  }
0xb9: {  	s3 =	sand.u32 $0x4000, s31;
	s1 =	sadd.s32 s1, s30  }
0xba: {  	s0 =	sor.u32 s3, s0;
	s1 =	sshll.u32 s1, $0x11  }
0xbb: {  	s0 =	sor.u32 s1, s0  }
0xbc: {  	s0 =	sadd.s32 $0x8F2B, s0  }
0xbd: {  	[sflag:s0] =	ssyncadd.remote.s32 $0x1  }
0xbe: {  	_ =	sfence.sel $0xFFFF  }
0xbf: {  	[dreg:$0x0] =	wrdreg $0xFFFFFFFF;
	(pc) =	sbr.abs _section_cstart, $3  }
0xc0: {  	[dreg:$0x1] =	wrdreg $0xFFFFFFFF  }
0xc1: {  	_ =	task.clear_ibuf [dreg:s7], $0x2FFFF;
	_ =	strace $0x9FFFFFFF  }
0xc2: {  	(tm) =	ssettm $0x7FFFFFFF  }
0xc3: {  	_ =	shalt  }
tec
execute0_lowered:
.L_overlay_start_1:
0x0: {  	(tag) =	ssettag $0x1  }
0x1: {  	s1 =	srdreg.scid;
	s5 =	rddreg [dreg:$0x0]  }
0x2: {  	s0 =	stileid.u32;
	s7 =	rddreg [dreg:$0x1];
	s2 =	simm.s32 $0x0  }
0x3: {  	s10 =	simm.s32 $0x1400;
	s11 =	simm.s32 $0x1;
	s12 =	simm.s32 $0x2800  }
0x4: {  	s3 =	sand.u32 $0x1, s1;
	s26 =	sshll.u32 s0, $0x1;
	s1 =	rddreg [dreg:$0x2]  }
0x5: {  	s28 =	sshrl.u32 s0, $0x2;
	[smem:$0x7FF] =	sst s2;
	s4 =	sor.u32 s3, s26  }
0x6: {  	s6 =	smul.u32 $0xA000, s28;
	s30 =	ssub.s32 $0x2, s3;
	s29 =	sshll.u32 s4, $0x7  }
0x7: {  	_ =	strace $0x80000047;
	s3 =	sadd.s32 $0x5200, s5;
	s8 =	sand.u32 $0x380, s29  }
0x8: {  	s9 =	sshrl.u32 s30, $0x1;
	s31 =	sshll.u32 s4, $0x6;
	s6 =	sor.u32 s6, s8  }
0x9: {  	s8 =	ssub.s32 s30, s9;
	s9 =	simm.s32 $0x2;
	s6 =	sshrl.u32 s6, $0x3  }
0xa: {  	s6 =	sadd.s32 s6, s5;
	s5 =	sadd.s32 s7, s31;
	s7 =	simm.s32 $0x80  }
0xb: {  	s4 =	sadd.s32 $0x200, s6;
	s6 =	smax.u32 s8, $0x1;
	s8 =	simm.s32 $0x400  }
.LBB2_1:
0xc: {  	[tilespmem:s2], [sflag:$0x2] =	stream.strided.gather [hbm4b:s4+s7], $0x1400, s8, s7, $0x38;
	[tilespmem:$0x2A00] =	vst v63  }
0xd: {  	_ =	swait.ge [sflag:s9], $0x1400  }
0xe: {  	[sflag:s9] =	ssyncset.done $0x0  }
0xf: {  	[sflag:s9] =	ssyncadd.s32 $0xFFFFEC00  }
0x10: {  	[tilespmem:s10], [sflag:$0x1] =	stream.indirect.gather [hbm4b:s3+s10], $0x1, s2, s10, $0xb8;
	[tilespmem:$0x2A00] =	vst v63  }
0x11: {  	_ =	swait.ge [sflag:s11], $0x1400  }
0x12: {  	[sflag:s11] =	ssyncset.done $0x0  }
0x13: {  	[sflag:s11] =	ssyncadd.s32 $0xFFFFEC00  }
0x14: {  	v0 =	vld [tilespmem:$0x1E00]  }
0x15: {  	v1 =	vld [tilespmem:$0x2000];
	_ =	sdelay $0x1  }
0x16: {  	v2 =	vld [tilespmem:$0x2200];
	_ =	sdelay $0x1  }
0x17: {  	v3 =	vld [tilespmem:$0x2400]  }
0x18: {  	v0 =	vadd.f32 v1, v0  }
0x19: {  	v58 =	vld [tilespmem:$0x2600]  }
0x1a: {  	v0 =	vadd.f32 v2, v0  }
0x1b: {  	v59 =	vld [tilespmem:$0x1400]  }
0x1c: {  	v0 =	vadd.f32 v3, v0  }
0x1d: {  	v60 =	vld [tilespmem:$0x1600]  }
0x1e: {  	v61 =	vld [tilespmem:$0x1800];
	v0 =	vadd.f32 v58, v0  }
0x1f: {  	v4 =	vld [tilespmem:$0x1E10]  }
0x20: {  	v62 =	vld [tilespmem:$0x2010];
	v0 =	vsub.f32 v0, v59  }
0x21: {  	v5 =	vld [tilespmem:$0x1A00]  }
0x22: {  	v63 =	vld [tilespmem:$0x2210];
	v0 =	vsub.f32 v0, v60  }
0x23: {  	v6 =	vld [tilespmem:$0x1C00]  }
0x24: {  	v8 =	vld [tilespmem:$0x2410];
	v0 =	vsub.f32 v0, v61  }
0x25: {  	v2 =	vadd.f32 v62, v4  }
0x26: {  	v9 =	vld [tilespmem:$0x2610];
	v0 =	vsub.f32 v0, v5  }
0x27: {  	v2 =	vadd.f32 v63, v2  }
0x28: {  	v10 =	vld [tilespmem:$0x1410];
	v0 =	vsub.f32 v0, v6  }
0x29: {  	v11 =	vld [tilespmem:$0x1610];
	v1 =	vadd.f32 v8, v2  }
0x2a: {  	v12 =	vld [tilespmem:$0x1810];
	v0 =	vmul.f32 $1.442695020e+00, v0  }
0x2b: {  	v13 =	vld [tilespmem:$0x1E20];
	v1 =	vadd.f32 v9, v1  }
0x2c: {  	v14 =	vld [tilespmem:$0x2020];
	(erf) = vpow2.f32 v0  }
0x2d: {  	v15 =	vld [tilespmem:$0x1A10];
	v1 =	vsub.f32 v1, v10  }
0x2e: {  	v16 =	vld [tilespmem:$0x2220]  }
0x2f: {  	v17 =	vld [tilespmem:$0x1C10];
	v1 =	vsub.f32 v1, v11  }
0x30: {  	v18 =	vld [tilespmem:$0x2420]  }
0x31: {  	v1 =	vsub.f32 v1, v12;
	v0 =	vadd.f32 v14, v13  }
0x32: {  	v19 =	vld [tilespmem:$0x2620]  }
0x33: {  	v1 =	vsub.f32 v1, v15;
	v0 =	vadd.f32 v16, v0  }
0x34: {  	v21 =	vld [tilespmem:$0x1420]  }
0x35: {  	v1 =	vsub.f32 v1, v17;
	v0 =	vadd.f32 v18, v0;
	v20 =	vpop (erf)  }
0x36: {  	v22 =	vld [tilespmem:$0x1620];
	v2 =	vadd.f32 $1.000000000e+00, v20  }
0x37: {  	v23 =	vld [tilespmem:$0x1820];
	v1 =	vmul.f32 $1.442695020e+00, v1;
	v0 =	vadd.f32 v19, v0  }
0x38: {  	v24 =	vld [tilespmem:$0x1E30];
	(erf) = vrcp.f32 v2  }
0x39: {  	v25 =	vld [tilespmem:$0x2030];
	v0 =	vsub.f32 v0, v21;
	(erf) = vpow2.f32 v1  }
0x3a: {  	v26 =	vld [tilespmem:$0x1A20]  }
0x3b: {  	v27 =	vld [tilespmem:$0x2230];
	v0 =	vsub.f32 v0, v22  }
0x3c: {  	v28 =	vld [tilespmem:$0x1C20]  }
0x3d: {  	v29 =	vld [tilespmem:$0x2430];
	v0 =	vsub.f32 v0, v23  }
0x3e: {  	v1 =	vadd.f32 v25, v24  }
0x3f: {  	v31 =	vld [tilespmem:$0x2630]  }
0x40: {  	v30 =	vsub.f32 v0, v26;
	v1 =	vadd.f32 v27, v1  }
0x41: {  	v33 =	vld [tilespmem:$0x1430];
	v0 =	vpop (erf)  }
0x42: {  	v3 =	vsub.f32 v30, v28;
	v1 =	vadd.f32 v29, v1;
	v32 =	vpop (erf)  }
0x43: {  	v35 =	vld [tilespmem:$0x1630];
	v4 =	vadd.f32 $1.000000000e+00, v32  }
0x44: {  	v36 =	vld [tilespmem:$0x1830];
	v34 =	vmul.f32 $1.442695020e+00, v3;
	v1 =	vadd.f32 v31, v1  }
0x45: {  	v37 =	vld [tilespmem:$0x1E40];
	(erf) = vrcp.f32 v4  }
0x46: {  	v38 =	vld [tilespmem:$0x2040];
	v1 =	vsub.f32 v1, v33;
	(erf) = vpow2.f32 v34  }
0x47: {  	v39 =	vld [tilespmem:$0x1A30]  }
0x48: {  	v40 =	vld [tilespmem:$0x2240];
	v1 =	vsub.f32 v1, v35  }
0x49: {  	v7 =	vld [tilespmem:$0x1C30]  }
0x4a: {  	v41 =	vld [tilespmem:$0x2440];
	v1 =	vsub.f32 v1, v36  }
0x4b: {  	v2 =	vadd.f32 v38, v37  }
0x4c: {  	v43 =	vld [tilespmem:$0x2640]  }
0x4d: {  	v2 =	vadd.f32 v40, v2;
	v42 =	vsub.f32 v1, v39  }
0x4e: {  	v45 =	vld [tilespmem:$0x1440];
	v1 =	vpop (erf)  }
0x4f: {  	v2 =	vadd.f32 v41, v2;
	v5 =	vsub.f32 v42, v7;
	v44 =	vpop (erf)  }
0x50: {  	v47 =	vld [tilespmem:$0x1640];
	v3 =	vadd.f32 $1.000000000e+00, v44  }
0x51: {  	v48 =	vld [tilespmem:$0x1840];
	v2 =	vadd.f32 v43, v2;
	v46 =	vmul.f32 $1.442695020e+00, v5  }
0x52: {  	v49 =	vld [tilespmem:$0x1E50];
	(erf) = vrcp.f32 v3  }
0x53: {  	v50 =	vld [tilespmem:$0x2050];
	v2 =	vsub.f32 v2, v45;
	(erf) = vpow2.f32 v46  }
0x54: {  	v51 =	vld [tilespmem:$0x1A40]  }
0x55: {  	v52 =	vld [tilespmem:$0x2250];
	v2 =	vsub.f32 v2, v47  }
0x56: {  	v53 =	vld [tilespmem:$0x2450]  }
0x57: {  	v8 =	vld [tilespmem:$0x1C40];
	v2 =	vsub.f32 v2, v48  }
0x58: {  	v4 =	vadd.f32 v50, v49  }
0x59: {  	v55 =	vld [tilespmem:$0x2650]  }
0x5a: {  	v54 =	vsub.f32 v2, v51;
	v4 =	vadd.f32 v52, v4  }
0x5b: {  	v57 =	vld [tilespmem:$0x1450];
	v2 =	vpop (erf)  }
0x5c: {  	v6 =	vsub.f32 v54, v8;
	v3 =	vadd.f32 v53, v4;
	v56 =	vpop (erf)  }
0x5d: {  	v59 =	vld [tilespmem:$0x1650];
	v5 =	vadd.f32 $1.000000000e+00, v56  }
0x5e: {  	v62 =	vld [tilespmem:$0x2060];
	v58 =	vmul.f32 $1.442695020e+00, v6;
	v3 =	vadd.f32 v55, v3  }
0x5f: {  	v60 =	vld [tilespmem:$0x1850];
	(erf) = vrcp.f32 v5  }
0x60: {  	v61 =	vld [tilespmem:$0x1E60];
	v3 =	vsub.f32 v3, v57;
	(erf) = vpow2.f32 v58  }
0x61: {  	v63 =	vld [tilespmem:$0x1A50]  }
0x62: {  	v12 =	vld [tilespmem:$0x2260];
	v3 =	vsub.f32 v3, v59  }
0x63: {  	v9 =	vld [tilespmem:$0x1C50]  }
0x64: {  	v13 =	vld [tilespmem:$0x2460];
	v3 =	vsub.f32 v3, v60  }
0x65: {  	v4 =	vadd.f32 v62, v61  }
0x66: {  	v15 =	vld [tilespmem:$0x2660]  }
0x67: {  	v4 =	vadd.f32 v12, v4;
	v14 =	vsub.f32 v3, v63  }
0x68: {  	v17 =	vld [tilespmem:$0x1460];
	v3 =	vpop (erf)  }
0x69: {  	v4 =	vadd.f32 v13, v4;
	v7 =	vsub.f32 v14, v9;
	v16 =	vpop (erf)  }
0x6a: {  	v19 =	vld [tilespmem:$0x1660];
	v6 =	vadd.f32 $1.000000000e+00, v16  }
0x6b: {  	v21 =	vld [tilespmem:$0x1E70];
	v4 =	vadd.f32 v15, v4;
	v18 =	vmul.f32 $1.442695020e+00, v7  }
0x6c: {  	v20 =	vld [tilespmem:$0x1860];
	(erf) = vrcp.f32 v6  }
0x6d: {  	v22 =	vld [tilespmem:$0x2070];
	v4 =	vsub.f32 v4, v17;
	(erf) = vpow2.f32 v18  }
0x6e: {  	v23 =	vld [tilespmem:$0x1A60]  }
0x6f: {  	v24 =	vld [tilespmem:$0x2270];
	v4 =	vsub.f32 v4, v19  }
0x70: {  	v10 =	vld [tilespmem:$0x1C60]  }
0x71: {  	v25 =	vld [tilespmem:$0x2470];
	v4 =	vsub.f32 v4, v20  }
0x72: {  	v5 =	vadd.f32 v22, v21  }
0x73: {  	v27 =	vld [tilespmem:$0x2670]  }
0x74: {  	v26 =	vsub.f32 v4, v23;
	v5 =	vadd.f32 v24, v5  }
0x75: {  	v29 =	vld [tilespmem:$0x1470];
	v4 =	vpop (erf)  }
0x76: {  	v8 =	vsub.f32 v26, v10;
	v5 =	vadd.f32 v25, v5;
	v28 =	vpop (erf)  }
0x77: {  	v31 =	vld [tilespmem:$0x1670];
	v7 =	vadd.f32 $1.000000000e+00, v28  }
0x78: {  	v33 =	vld [tilespmem:$0x1E80];
	v30 =	vmul.f32 $1.442695020e+00, v8;
	v5 =	vadd.f32 v27, v5  }
0x79: {  	v32 =	vld [tilespmem:$0x1870];
	(erf) = vrcp.f32 v7  }
0x7a: {  	v34 =	vld [tilespmem:$0x2080];
	v5 =	vsub.f32 v5, v29;
	(erf) = vpow2.f32 v30  }
0x7b: {  	v35 =	vld [tilespmem:$0x1A70]  }
0x7c: {  	v36 =	vld [tilespmem:$0x2280];
	v5 =	vsub.f32 v5, v31  }
0x7d: {  	v11 =	vld [tilespmem:$0x1C70]  }
0x7e: {  	v37 =	vld [tilespmem:$0x2480];
	v5 =	vsub.f32 v5, v32  }
0x7f: {  	v6 =	vadd.f32 v34, v33  }
0x80: {  	v39 =	vld [tilespmem:$0x2680]  }
0x81: {  	v38 =	vsub.f32 v5, v35;
	v6 =	vadd.f32 v36, v6  }
0x82: {  	v41 =	vld [tilespmem:$0x1480];
	v5 =	vpop (erf)  }
0x83: {  	v9 =	vsub.f32 v38, v11;
	v6 =	vadd.f32 v37, v6;
	v40 =	vpop (erf)  }
0x84: {  	v43 =	vld [tilespmem:$0x1680];
	v8 =	vadd.f32 $1.000000000e+00, v40  }
0x85: {  	v45 =	vld [tilespmem:$0x1E90];
	v42 =	vmul.f32 $1.442695020e+00, v9;
	v6 =	vadd.f32 v39, v6  }
0x86: {  	v44 =	vld [tilespmem:$0x1880];
	(erf) = vrcp.f32 v8  }
0x87: {  	v46 =	vld [tilespmem:$0x2090];
	v6 =	vsub.f32 v6, v41;
	(erf) = vpow2.f32 v42  }
0x88: {  	v47 =	vld [tilespmem:$0x1A80]  }
0x89: {  	v48 =	vld [tilespmem:$0x2290];
	v6 =	vsub.f32 v6, v43  }
0x8a: {  	v49 =	vld [tilespmem:$0x2490]  }
0x8b: {  	v12 =	vld [tilespmem:$0x1C80];
	v6 =	vsub.f32 v6, v44  }
0x8c: {  	v7 =	vadd.f32 v46, v45  }
0x8d: {  	v51 =	vld [tilespmem:$0x2690]  }
0x8e: {  	v50 =	vsub.f32 v6, v47;
	v7 =	vadd.f32 v48, v7  }
0x8f: {  	v53 =	vld [tilespmem:$0x1490];
	v6 =	vpop (erf)  }
0x90: {  	v10 =	vsub.f32 v50, v12;
	v7 =	vadd.f32 v49, v7;
	v52 =	vpop (erf)  }
0x91: {  	v55 =	vld [tilespmem:$0x1690];
	v9 =	vadd.f32 $1.000000000e+00, v52  }
0x92: {  	v57 =	vld [tilespmem:$0x1EA0];
	v54 =	vmul.f32 $1.442695020e+00, v10;
	v7 =	vadd.f32 v51, v7  }
0x93: {  	v56 =	vld [tilespmem:$0x1890];
	(erf) = vrcp.f32 v9  }
0x94: {  	v58 =	vld [tilespmem:$0x20A0];
	v7 =	vsub.f32 v7, v53;
	(erf) = vpow2.f32 v54  }
0x95: {  	v59 =	vld [tilespmem:$0x1A90]  }
0x96: {  	v60 =	vld [tilespmem:$0x22A0];
	v7 =	vsub.f32 v7, v55  }
0x97: {  	v61 =	vld [tilespmem:$0x24A0]  }
0x98: {  	v13 =	vld [tilespmem:$0x1C90];
	v7 =	vsub.f32 v7, v56  }
0x99: {  	v8 =	vadd.f32 v58, v57  }
0x9a: {  	v63 =	vld [tilespmem:$0x26A0]  }
0x9b: {  	v62 =	vsub.f32 v7, v59;
	v8 =	vadd.f32 v60, v8  }
0x9c: {  	v17 =	vld [tilespmem:$0x14A0];
	v7 =	vpop (erf)  }
0x9d: {  	v11 =	vsub.f32 v62, v13;
	v8 =	vadd.f32 v61, v8;
	v16 =	vpop (erf)  }
0x9e: {  	v19 =	vld [tilespmem:$0x16A0];
	v10 =	vadd.f32 $1.000000000e+00, v16  }
0x9f: {  	v20 =	vld [tilespmem:$0x18A0];
	v18 =	vmul.f32 $1.442695020e+00, v11;
	v8 =	vadd.f32 v63, v8  }
0xa0: {  	v21 =	vld [tilespmem:$0x1EB0];
	(erf) = vrcp.f32 v10  }
0xa1: {  	v22 =	vld [tilespmem:$0x20B0];
	v8 =	vsub.f32 v8, v17;
	(erf) = vpow2.f32 v18  }
0xa2: {  	v23 =	vld [tilespmem:$0x1AA0]  }
0xa3: {  	v24 =	vld [tilespmem:$0x22B0];
	v8 =	vsub.f32 v8, v19  }
0xa4: {  	v14 =	vld [tilespmem:$0x1CA0]  }
0xa5: {  	v25 =	vld [tilespmem:$0x24B0];
	v8 =	vsub.f32 v8, v20  }
0xa6: {  	v9 =	vadd.f32 v22, v21  }
0xa7: {  	v27 =	vld [tilespmem:$0x26B0]  }
0xa8: {  	v26 =	vsub.f32 v8, v23;
	v9 =	vadd.f32 v24, v9  }
0xa9: {  	v29 =	vld [tilespmem:$0x14B0];
	v8 =	vpop (erf)  }
0xaa: {  	v12 =	vsub.f32 v26, v14;
	v9 =	vadd.f32 v25, v9;
	v28 =	vpop (erf)  }
0xab: {  	v31 =	vld [tilespmem:$0x16B0];
	v11 =	vadd.f32 $1.000000000e+00, v28  }
0xac: {  	v32 =	vld [tilespmem:$0x18B0];
	v30 =	vmul.f32 $1.442695020e+00, v12;
	v9 =	vadd.f32 v27, v9  }
0xad: {  	v33 =	vld [tilespmem:$0x1EC0];
	(erf) = vrcp.f32 v11  }
0xae: {  	v34 =	vld [tilespmem:$0x20C0];
	v9 =	vsub.f32 v9, v29;
	(erf) = vpow2.f32 v30  }
0xaf: {  	v35 =	vld [tilespmem:$0x1AB0]  }
0xb0: {  	v36 =	vld [tilespmem:$0x22C0];
	v9 =	vsub.f32 v9, v31  }
0xb1: {  	v15 =	vld [tilespmem:$0x1CB0]  }
0xb2: {  	v37 =	vld [tilespmem:$0x24C0];
	v9 =	vsub.f32 v9, v32  }
0xb3: {  	v10 =	vadd.f32 v34, v33  }
0xb4: {  	v39 =	vld [tilespmem:$0x26C0]  }
0xb5: {  	v38 =	vsub.f32 v9, v35;
	v10 =	vadd.f32 v36, v10  }
0xb6: {  	v41 =	vld [tilespmem:$0x14C0];
	v9 =	vpop (erf)  }
0xb7: {  	v13 =	vsub.f32 v38, v15;
	v10 =	vadd.f32 v37, v10;
	v40 =	vpop (erf)  }
0xb8: {  	v43 =	vld [tilespmem:$0x16C0];
	v12 =	vadd.f32 $1.000000000e+00, v40  }
0xb9: {  	v44 =	vld [tilespmem:$0x18C0];
	v42 =	vmul.f32 $1.442695020e+00, v13;
	v10 =	vadd.f32 v39, v10  }
0xba: {  	v45 =	vld [tilespmem:$0x1ED0];
	(erf) = vrcp.f32 v12  }
0xbb: {  	v46 =	vld [tilespmem:$0x20D0];
	v10 =	vsub.f32 v10, v41;
	(erf) = vpow2.f32 v42  }
0xbc: {  	v47 =	vld [tilespmem:$0x1AC0]  }
0xbd: {  	v48 =	vld [tilespmem:$0x22D0];
	v10 =	vsub.f32 v10, v43  }
0xbe: {  	v49 =	vld [tilespmem:$0x24D0]  }
0xbf: {  	v16 =	vld [tilespmem:$0x1CC0];
	v10 =	vsub.f32 v10, v44  }
0xc0: {  	v11 =	vadd.f32 v46, v45  }
0xc1: {  	v51 =	vld [tilespmem:$0x26D0]  }
0xc2: {  	v50 =	vsub.f32 v10, v47;
	v11 =	vadd.f32 v48, v11  }
0xc3: {  	v53 =	vld [tilespmem:$0x14D0];
	v10 =	vpop (erf)  }
0xc4: {  	v14 =	vsub.f32 v50, v16;
	v11 =	vadd.f32 v49, v11;
	v52 =	vpop (erf)  }
0xc5: {  	v55 =	vld [tilespmem:$0x16D0];
	v13 =	vadd.f32 $1.000000000e+00, v52  }
0xc6: {  	v56 =	vld [tilespmem:$0x18D0];
	v54 =	vmul.f32 $1.442695020e+00, v14;
	v11 =	vadd.f32 v51, v11  }
0xc7: {  	v57 =	vld [tilespmem:$0x1EE0];
	(erf) = vrcp.f32 v13  }
0xc8: {  	v58 =	vld [tilespmem:$0x20E0];
	v11 =	vsub.f32 v11, v53;
	(erf) = vpow2.f32 v54  }
0xc9: {  	v59 =	vld [tilespmem:$0x1AD0]  }
0xca: {  	v60 =	vld [tilespmem:$0x22E0];
	v11 =	vsub.f32 v11, v55  }
0xcb: {  	v61 =	vld [tilespmem:$0x24E0]  }
0xcc: {  	v17 =	vld [tilespmem:$0x1CD0];
	v11 =	vsub.f32 v11, v56  }
0xcd: {  	v12 =	vadd.f32 v58, v57  }
0xce: {  	v63 =	vld [tilespmem:$0x26E0]  }
0xcf: {  	v62 =	vsub.f32 v11, v59;
	v12 =	vadd.f32 v60, v12  }
0xd0: {  	v21 =	vld [tilespmem:$0x14E0];
	v11 =	vpop (erf)  }
0xd1: {  	v15 =	vsub.f32 v62, v17;
	v12 =	vadd.f32 v61, v12;
	v20 =	vpop (erf)  }
0xd2: {  	v23 =	vld [tilespmem:$0x16E0];
	v14 =	vadd.f32 $1.000000000e+00, v20  }
0xd3: {  	v24 =	vld [tilespmem:$0x18E0];
	v22 =	vmul.f32 $1.442695020e+00, v15;
	v12 =	vadd.f32 v63, v12  }
0xd4: {  	v26 =	vld [tilespmem:$0x20F0];
	(erf) = vrcp.f32 v14  }
0xd5: {  	v25 =	vld [tilespmem:$0x1EF0];
	v12 =	vsub.f32 v12, v21;
	(erf) = vpow2.f32 v22  }
0xd6: {  	v27 =	vld [tilespmem:$0x1AE0]  }
0xd7: {  	v28 =	vld [tilespmem:$0x22F0];
	v12 =	vsub.f32 v12, v23  }
0xd8: {  	v29 =	vld [tilespmem:$0x24F0]  }
0xd9: {  	v18 =	vld [tilespmem:$0x1CE0];
	v12 =	vsub.f32 v12, v24  }
0xda: {  	v13 =	vadd.f32 v26, v25  }
0xdb: {  	v31 =	vld [tilespmem:$0x26F0]  }
0xdc: {  	v30 =	vsub.f32 v12, v27;
	v13 =	vadd.f32 v28, v13  }
0xdd: {  	v33 =	vld [tilespmem:$0x14F0];
	v12 =	vpop (erf)  }
0xde: {  	v16 =	vsub.f32 v30, v18;
	v13 =	vadd.f32 v29, v13;
	v32 =	vpop (erf)  }
0xdf: {  	v35 =	vld [tilespmem:$0x16F0];
	v15 =	vadd.f32 $1.000000000e+00, v32  }
0xe0: {  	v36 =	vld [tilespmem:$0x18F0];
	v34 =	vmul.f32 $1.442695020e+00, v16;
	v13 =	vadd.f32 v31, v13  }
0xe1: {  	v38 =	vld [tilespmem:$0x2100];
	(erf) = vrcp.f32 v15  }
0xe2: {  	v37 =	vld [tilespmem:$0x1F00];
	v13 =	vsub.f32 v13, v33;
	(erf) = vpow2.f32 v34  }
0xe3: {  	v39 =	vld [tilespmem:$0x1AF0]  }
0xe4: {  	v40 =	vld [tilespmem:$0x2300];
	v13 =	vsub.f32 v13, v35  }
0xe5: {  	v19 =	vld [tilespmem:$0x1CF0]  }
0xe6: {  	v41 =	vld [tilespmem:$0x2500];
	v13 =	vsub.f32 v13, v36  }
0xe7: {  	v14 =	vadd.f32 v38, v37  }
0xe8: {  	v43 =	vld [tilespmem:$0x2700]  }
0xe9: {  	v42 =	vsub.f32 v13, v39;
	v14 =	vadd.f32 v40, v14  }
0xea: {  	v45 =	vld [tilespmem:$0x1500];
	v13 =	vpop (erf)  }
0xeb: {  	v17 =	vsub.f32 v42, v19;
	v14 =	vadd.f32 v41, v14;
	v44 =	vpop (erf)  }
0xec: {  	v47 =	vld [tilespmem:$0x1700];
	v16 =	vadd.f32 $1.000000000e+00, v44  }
0xed: {  	v48 =	vld [tilespmem:$0x1900];
	v46 =	vmul.f32 $1.442695020e+00, v17;
	v14 =	vadd.f32 v43, v14  }
0xee: {  	v50 =	vld [tilespmem:$0x2110];
	(erf) = vrcp.f32 v16  }
0xef: {  	v49 =	vld [tilespmem:$0x1F10];
	v14 =	vsub.f32 v14, v45;
	(erf) = vpow2.f32 v46  }
0xf0: {  	v51 =	vld [tilespmem:$0x1B00]  }
0xf1: {  	v52 =	vld [tilespmem:$0x2310];
	v14 =	vsub.f32 v14, v47  }
0xf2: {  	v53 =	vld [tilespmem:$0x2510]  }
0xf3: {  	v20 =	vld [tilespmem:$0x1D00];
	v14 =	vsub.f32 v14, v48  }
0xf4: {  	v15 =	vadd.f32 v50, v49  }
0xf5: {  	v55 =	vld [tilespmem:$0x2710]  }
0xf6: {  	v54 =	vsub.f32 v14, v51;
	v15 =	vadd.f32 v52, v15  }
0xf7: {  	v57 =	vld [tilespmem:$0x1510];
	v14 =	vpop (erf)  }
0xf8: {  	v18 =	vsub.f32 v54, v20;
	v15 =	vadd.f32 v53, v15;
	v56 =	vpop (erf)  }
0xf9: {  	v59 =	vld [tilespmem:$0x1710];
	v17 =	vadd.f32 $1.000000000e+00, v56  }
0xfa: {  	v60 =	vld [tilespmem:$0x1910];
	v58 =	vmul.f32 $1.442695020e+00, v18;
	v15 =	vadd.f32 v55, v15  }
0xfb: {  	v62 =	vld [tilespmem:$0x2120];
	(erf) = vrcp.f32 v17  }
0xfc: {  	v61 =	vld [tilespmem:$0x1F20];
	v15 =	vsub.f32 v15, v57;
	(erf) = vpow2.f32 v58  }
0xfd: {  	v63 =	vld [tilespmem:$0x1B10]  }
0xfe: {  	v24 =	vld [tilespmem:$0x2320];
	v15 =	vsub.f32 v15, v59  }
0xff: {  	v21 =	vld [tilespmem:$0x1D10]  }
0x100: {  	v25 =	vld [tilespmem:$0x2520];
	v15 =	vsub.f32 v15, v60  }
0x101: {  	v16 =	vadd.f32 v62, v61  }
0x102: {  	v27 =	vld [tilespmem:$0x2720]  }
0x103: {  	v26 =	vsub.f32 v15, v63;
	v16 =	vadd.f32 v24, v16  }
0x104: {  	v29 =	vld [tilespmem:$0x1520];
	v15 =	vpop (erf)  }
0x105: {  	v19 =	vsub.f32 v26, v21;
	v16 =	vadd.f32 v25, v16;
	v28 =	vpop (erf)  }
0x106: {  	v31 =	vld [tilespmem:$0x1720];
	v18 =	vadd.f32 $1.000000000e+00, v28  }
0x107: {  	v33 =	vld [tilespmem:$0x1F30];
	v30 =	vmul.f32 $1.442695020e+00, v19;
	v16 =	vadd.f32 v27, v16  }
0x108: {  	v32 =	vld [tilespmem:$0x1920];
	(erf) = vrcp.f32 v18  }
0x109: {  	v34 =	vld [tilespmem:$0x2130];
	v16 =	vsub.f32 v16, v29;
	(erf) = vpow2.f32 v30  }
0x10a: {  	v35 =	vld [tilespmem:$0x1B20]  }
0x10b: {  	v36 =	vld [tilespmem:$0x2330];
	v16 =	vsub.f32 v16, v31  }
0x10c: {  	v37 =	vld [tilespmem:$0x2530]  }
0x10d: {  	v22 =	vld [tilespmem:$0x1D20];
	v16 =	vsub.f32 v16, v32  }
0x10e: {  	v17 =	vadd.f32 v34, v33  }
0x10f: {  	v39 =	vld [tilespmem:$0x2730]  }
0x110: {  	v38 =	vsub.f32 v16, v35;
	v17 =	vadd.f32 v36, v17  }
0x111: {  	v41 =	vld [tilespmem:$0x1530];
	v16 =	vpop (erf)  }
0x112: {  	v20 =	vsub.f32 v38, v22;
	v17 =	vadd.f32 v37, v17;
	v40 =	vpop (erf)  }
0x113: {  	v43 =	vld [tilespmem:$0x1730];
	v19 =	vadd.f32 $1.000000000e+00, v40  }
0x114: {  	v45 =	vld [tilespmem:$0x1F40];
	v42 =	vmul.f32 $1.442695020e+00, v20;
	v17 =	vadd.f32 v39, v17  }
0x115: {  	v44 =	vld [tilespmem:$0x1930];
	(erf) = vrcp.f32 v19  }
0x116: {  	v46 =	vld [tilespmem:$0x2140];
	v17 =	vsub.f32 v17, v41;
	(erf) = vpow2.f32 v42  }
0x117: {  	v47 =	vld [tilespmem:$0x1B30]  }
0x118: {  	v48 =	vld [tilespmem:$0x2340];
	v17 =	vsub.f32 v17, v43  }
0x119: {  	v23 =	vld [tilespmem:$0x1D30]  }
0x11a: {  	v49 =	vld [tilespmem:$0x2540];
	v17 =	vsub.f32 v17, v44  }
0x11b: {  	v18 =	vadd.f32 v46, v45  }
0x11c: {  	v51 =	vld [tilespmem:$0x2740]  }
0x11d: {  	v50 =	vsub.f32 v17, v47;
	v18 =	vadd.f32 v48, v18  }
0x11e: {  	v53 =	vld [tilespmem:$0x1540];
	v17 =	vpop (erf)  }
0x11f: {  	v21 =	vsub.f32 v50, v23;
	v18 =	vadd.f32 v49, v18;
	v52 =	vpop (erf)  }
0x120: {  	v55 =	vld [tilespmem:$0x1740];
	v20 =	vadd.f32 $1.000000000e+00, v52  }
0x121: {  	v57 =	vld [tilespmem:$0x1F50];
	v54 =	vmul.f32 $1.442695020e+00, v21;
	v18 =	vadd.f32 v51, v18  }
0x122: {  	v56 =	vld [tilespmem:$0x1940];
	(erf) = vrcp.f32 v20  }
0x123: {  	v58 =	vld [tilespmem:$0x2150];
	v18 =	vsub.f32 v18, v53;
	(erf) = vpow2.f32 v54  }
0x124: {  	v59 =	vld [tilespmem:$0x1B40]  }
0x125: {  	v60 =	vld [tilespmem:$0x2350];
	v18 =	vsub.f32 v18, v55  }
0x126: {  	v61 =	vld [tilespmem:$0x2550]  }
0x127: {  	v24 =	vld [tilespmem:$0x1D40];
	v18 =	vsub.f32 v18, v56  }
0x128: {  	v19 =	vadd.f32 v58, v57  }
0x129: {  	v63 =	vld [tilespmem:$0x2750]  }
0x12a: {  	v62 =	vsub.f32 v18, v59;
	v19 =	vadd.f32 v60, v19  }
0x12b: {  	v29 =	vld [tilespmem:$0x1550];
	v18 =	vpop (erf)  }
0x12c: {  	v22 =	vsub.f32 v62, v24;
	v19 =	vadd.f32 v61, v19;
	v28 =	vpop (erf)  }
0x12d: {  	v31 =	vld [tilespmem:$0x1750];
	v21 =	vadd.f32 $1.000000000e+00, v28  }
0x12e: {  	v32 =	vld [tilespmem:$0x1950];
	v30 =	vmul.f32 $1.442695020e+00, v22;
	v19 =	vadd.f32 v63, v19  }
0x12f: {  	v33 =	vld [tilespmem:$0x1F60];
	(erf) = vrcp.f32 v21  }
0x130: {  	v34 =	vld [tilespmem:$0x2160];
	v19 =	vsub.f32 v19, v29;
	(erf) = vpow2.f32 v30  }
0x131: {  	v35 =	vld [tilespmem:$0x1B50]  }
0x132: {  	v36 =	vld [tilespmem:$0x2360];
	v19 =	vsub.f32 v19, v31  }
0x133: {  	v25 =	vld [tilespmem:$0x1D50]  }
0x134: {  	v37 =	vld [tilespmem:$0x2560];
	v19 =	vsub.f32 v19, v32  }
0x135: {  	v20 =	vadd.f32 v34, v33  }
0x136: {  	v39 =	vld [tilespmem:$0x2760]  }
0x137: {  	v38 =	vsub.f32 v19, v35;
	v20 =	vadd.f32 v36, v20  }
0x138: {  	v41 =	vld [tilespmem:$0x1560];
	v19 =	vpop (erf)  }
0x139: {  	v23 =	vsub.f32 v38, v25;
	v20 =	vadd.f32 v37, v20;
	v40 =	vpop (erf)  }
0x13a: {  	v43 =	vld [tilespmem:$0x1760];
	v22 =	vadd.f32 $1.000000000e+00, v40  }
0x13b: {  	v44 =	vld [tilespmem:$0x1960];
	v42 =	vmul.f32 $1.442695020e+00, v23;
	v20 =	vadd.f32 v39, v20  }
0x13c: {  	v45 =	vld [tilespmem:$0x1F70];
	(erf) = vrcp.f32 v22  }
0x13d: {  	v46 =	vld [tilespmem:$0x2170];
	v20 =	vsub.f32 v20, v41;
	(erf) = vpow2.f32 v42  }
0x13e: {  	v47 =	vld [tilespmem:$0x1B60]  }
0x13f: {  	v48 =	vld [tilespmem:$0x2370];
	v20 =	vsub.f32 v20, v43  }
0x140: {  	v26 =	vld [tilespmem:$0x1D60]  }
0x141: {  	v49 =	vld [tilespmem:$0x2570];
	v20 =	vsub.f32 v20, v44  }
0x142: {  	v21 =	vadd.f32 v46, v45  }
0x143: {  	v51 =	vld [tilespmem:$0x2770]  }
0x144: {  	v50 =	vsub.f32 v20, v47;
	v21 =	vadd.f32 v48, v21  }
0x145: {  	v53 =	vld [tilespmem:$0x1570];
	v20 =	vpop (erf)  }
0x146: {  	v24 =	vsub.f32 v50, v26;
	v21 =	vadd.f32 v49, v21;
	v52 =	vpop (erf)  }
0x147: {  	v55 =	vld [tilespmem:$0x1770];
	v23 =	vadd.f32 $1.000000000e+00, v52  }
0x148: {  	v56 =	vld [tilespmem:$0x1970];
	v54 =	vmul.f32 $1.442695020e+00, v24;
	v21 =	vadd.f32 v51, v21  }
0x149: {  	v57 =	vld [tilespmem:$0x1F80];
	(erf) = vrcp.f32 v23  }
0x14a: {  	v58 =	vld [tilespmem:$0x2180];
	v21 =	vsub.f32 v21, v53;
	(erf) = vpow2.f32 v54  }
0x14b: {  	v59 =	vld [tilespmem:$0x1B70]  }
0x14c: {  	v60 =	vld [tilespmem:$0x2380];
	v21 =	vsub.f32 v21, v55  }
0x14d: {  	v27 =	vld [tilespmem:$0x1D70]  }
0x14e: {  	v61 =	vld [tilespmem:$0x2580];
	v21 =	vsub.f32 v21, v56  }
0x14f: {  	v22 =	vadd.f32 v58, v57  }
0x150: {  	v63 =	vld [tilespmem:$0x2780]  }
0x151: {  	v62 =	vsub.f32 v21, v59;
	v22 =	vadd.f32 v60, v22  }
0x152: {  	v31 =	vld [tilespmem:$0x1580];
	v21 =	vpop (erf)  }
0x153: {  	v25 =	vsub.f32 v62, v27;
	v22 =	vadd.f32 v61, v22;
	v30 =	vpop (erf)  }
0x154: {  	v33 =	vld [tilespmem:$0x1780];
	v24 =	vadd.f32 $1.000000000e+00, v30  }
0x155: {  	v34 =	vld [tilespmem:$0x1980];
	v32 =	vmul.f32 $1.442695020e+00, v25;
	v22 =	vadd.f32 v63, v22  }
0x156: {  	v35 =	vld [tilespmem:$0x1F90];
	(erf) = vrcp.f32 v24  }
0x157: {  	v36 =	vld [tilespmem:$0x2190];
	v22 =	vsub.f32 v22, v31;
	(erf) = vpow2.f32 v32  }
0x158: {  	v38 =	vld [tilespmem:$0x2390]  }
0x159: {  	v37 =	vld [tilespmem:$0x1B80];
	v22 =	vsub.f32 v22, v33  }
0x15a: {  	v39 =	vld [tilespmem:$0x2590]  }
0x15b: {  	v28 =	vld [tilespmem:$0x1D80];
	v22 =	vsub.f32 v22, v34  }
0x15c: {  	v23 =	vadd.f32 v36, v35  }
0x15d: {  	v41 =	vld [tilespmem:$0x2790]  }
0x15e: {  	v40 =	vsub.f32 v22, v37;
	v23 =	vadd.f32 v38, v23  }
0x15f: {  	v43 =	vld [tilespmem:$0x1590];
	v22 =	vpop (erf)  }
0x160: {  	v26 =	vsub.f32 v40, v28;
	v23 =	vadd.f32 v39, v23;
	v42 =	vpop (erf)  }
0x161: {  	v45 =	vld [tilespmem:$0x1790];
	v25 =	vadd.f32 $1.000000000e+00, v42  }
0x162: {  	v46 =	vld [tilespmem:$0x1990];
	v44 =	vmul.f32 $1.442695020e+00, v26;
	v23 =	vadd.f32 v41, v23  }
0x163: {  	v47 =	vld [tilespmem:$0x1FA0];
	(erf) = vrcp.f32 v25  }
0x164: {  	v48 =	vld [tilespmem:$0x21A0];
	v23 =	vsub.f32 v23, v43;
	(erf) = vpow2.f32 v44  }
0x165: {  	v50 =	vld [tilespmem:$0x23A0]  }
0x166: {  	v49 =	vld [tilespmem:$0x1B90];
	v23 =	vsub.f32 v23, v45  }
0x167: {  	v29 =	vld [tilespmem:$0x1D90]  }
0x168: {  	v51 =	vld [tilespmem:$0x25A0];
	v23 =	vsub.f32 v23, v46  }
0x169: {  	v24 =	vadd.f32 v48, v47  }
0x16a: {  	v53 =	vld [tilespmem:$0x27A0]  }
0x16b: {  	v52 =	vsub.f32 v23, v49;
	v24 =	vadd.f32 v50, v24  }
0x16c: {  	v55 =	vld [tilespmem:$0x15A0];
	v23 =	vpop (erf)  }
0x16d: {  	v27 =	vsub.f32 v52, v29;
	v24 =	vadd.f32 v51, v24;
	v54 =	vpop (erf)  }
0x16e: {  	v57 =	vld [tilespmem:$0x17A0];
	v26 =	vadd.f32 $1.000000000e+00, v54  }
0x16f: {  	v58 =	vld [tilespmem:$0x19A0];
	v56 =	vmul.f32 $1.442695020e+00, v27;
	v24 =	vadd.f32 v53, v24  }
0x170: {  	v59 =	vld [tilespmem:$0x1FB0];
	(erf) = vrcp.f32 v26  }
0x171: {  	v60 =	vld [tilespmem:$0x21B0];
	v24 =	vsub.f32 v24, v55;
	(erf) = vpow2.f32 v56  }
0x172: {  	v62 =	vld [tilespmem:$0x23B0]  }
0x173: {  	v61 =	vld [tilespmem:$0x1BA0];
	v24 =	vsub.f32 v24, v57  }
0x174: {  	v63 =	vld [tilespmem:$0x25B0]  }
0x175: {  	v30 =	vld [tilespmem:$0x1DA0];
	v24 =	vsub.f32 v24, v58  }
0x176: {  	v25 =	vadd.f32 v60, v59  }
0x177: {  	v34 =	vld [tilespmem:$0x27B0]  }
0x178: {  	v33 =	vsub.f32 v24, v61;
	v25 =	vadd.f32 v62, v25  }
0x179: {  	v36 =	vld [tilespmem:$0x15B0];
	v24 =	vpop (erf)  }
0x17a: {  	v28 =	vsub.f32 v33, v30;
	v25 =	vadd.f32 v63, v25;
	v35 =	vpop (erf)  }
0x17b: {  	v38 =	vld [tilespmem:$0x17B0];
	v27 =	vadd.f32 $1.000000000e+00, v35  }
0x17c: {  	v37 =	vmul.f32 $1.442695020e+00, v28;
	v25 =	vadd.f32 v34, v25  }
0x17d: {  	v39 =	vld [tilespmem:$0x19B0];
	(erf) = vrcp.f32 v27  }
0x17e: {  	v40 =	vld [tilespmem:$0x1FC0];
	v25 =	vsub.f32 v25, v36;
	(erf) = vpow2.f32 v37  }
0x17f: {  	v41 =	vld [tilespmem:$0x21C0]  }
0x180: {  	v42 =	vld [tilespmem:$0x1BB0];
	v25 =	vsub.f32 v25, v38  }
0x181: {  	v43 =	vld [tilespmem:$0x23C0]  }
0x182: {  	v31 =	vld [tilespmem:$0x1DB0];
	v25 =	vsub.f32 v25, v39  }
0x183: {  	v44 =	vld [tilespmem:$0x25C0]  }
0x184: {  	v26 =	vadd.f32 v41, v40  }
0x185: {  	v46 =	vld [tilespmem:$0x27C0];
	v45 =	vsub.f32 v25, v42  }
0x186: {  	v26 =	vadd.f32 v43, v26;
	v25 =	vpop (erf)  }
0x187: {  	v48 =	vld [tilespmem:$0x15C0];
	v29 =	vsub.f32 v45, v31;
	v47 =	vpop (erf)  }
0x188: {  	v26 =	vadd.f32 v44, v26;
	v28 =	vadd.f32 $1.000000000e+00, v47  }
0x189: {  	v50 =	vld [tilespmem:$0x17C0];
	v49 =	vmul.f32 $1.442695020e+00, v29  }
0x18a: {  	v52 =	vld [tilespmem:$0x1FD0];
	v26 =	vadd.f32 v46, v26;
	(erf) = vrcp.f32 v28  }
0x18b: {  	v51 =	vld [tilespmem:$0x19C0];
	(erf) = vpow2.f32 v49  }
0x18c: {  	v53 =	vld [tilespmem:$0x21D0];
	v26 =	vsub.f32 v26, v48  }
0x18d: {  	v54 =	vld [tilespmem:$0x1BC0]  }
0x18e: {  	v55 =	vld [tilespmem:$0x23D0];
	v26 =	vsub.f32 v26, v50  }
0x18f: {  	v32 =	vld [tilespmem:$0x1DC0]  }
0x190: {  	v56 =	vld [tilespmem:$0x25D0];
	v26 =	vsub.f32 v26, v51  }
0x191: {  	v27 =	vadd.f32 v53, v52  }
0x192: {  	v57 =	vld [tilespmem:$0x27D0];
	v26 =	vsub.f32 v26, v54  }
0x193: {  	v27 =	vadd.f32 v55, v27;
	v31 =	vpop (erf)  }
0x194: {  	v59 =	vld [tilespmem:$0x15D0];
	v26 =	vsub.f32 v26, v32;
	v58 =	vpop (erf)  }
0x195: {  	v27 =	vadd.f32 v56, v27;
	v29 =	vadd.f32 $1.000000000e+00, v58  }
0x196: {  	v60 =	vld [tilespmem:$0x17D0];
	v26 =	vmul.f32 $1.442695020e+00, v26  }
0x197: {  	v61 =	vld [tilespmem:$0x19D0];
	v27 =	vadd.f32 v57, v27;
	(erf) = vrcp.f32 v29  }
0x198: {  	v62 =	vld [tilespmem:$0x1FE0];
	(erf) = vpow2.f32 v26  }
0x199: {  	v63 =	vld [tilespmem:$0x21E0];
	v27 =	vsub.f32 v27, v59  }
0x19a: {  	v36 =	vld [tilespmem:$0x1BD0]  }
0x19b: {  	v37 =	vld [tilespmem:$0x23E0];
	v27 =	vsub.f32 v27, v60  }
0x19c: {  	v33 =	vld [tilespmem:$0x1DD0]  }
0x19d: {  	v38 =	vld [tilespmem:$0x25E0];
	v27 =	vsub.f32 v27, v61  }
0x19e: {  	v26 =	vadd.f32 v63, v62  }
0x19f: {  	v39 =	vld [tilespmem:$0x27E0];
	v27 =	vsub.f32 v27, v36  }
0x1a0: {  	v26 =	vadd.f32 v37, v26;
	v40 =	vpop (erf)  }
0x1a1: {  	v42 =	vld [tilespmem:$0x15E0];
	v27 =	vsub.f32 v27, v33;
	v41 =	vpop (erf)  }
0x1a2: {  	v26 =	vadd.f32 v38, v26;
	v28 =	vadd.f32 $1.000000000e+00, v41  }
0x1a3: {  	v43 =	vld [tilespmem:$0x17E0];
	v27 =	vmul.f32 $1.442695020e+00, v27  }
0x1a4: {  	v45 =	vld [tilespmem:$0x1FF0];
	v26 =	vadd.f32 v39, v26;
	(erf) = vrcp.f32 v28  }
0x1a5: {  	v44 =	vld [tilespmem:$0x19E0];
	(erf) = vpow2.f32 v27  }
0x1a6: {  	v46 =	vld [tilespmem:$0x21F0];
	v26 =	vsub.f32 v26, v42  }
0x1a7: {  	v47 =	vld [tilespmem:$0x1BE0]  }
0x1a8: {  	v48 =	vld [tilespmem:$0x23F0];
	v26 =	vsub.f32 v26, v43  }
0x1a9: {  	v34 =	vld [tilespmem:$0x1DE0]  }
0x1aa: {  	v49 =	vld [tilespmem:$0x25F0];
	v26 =	vsub.f32 v26, v44  }
0x1ab: {  	v27 =	vadd.f32 v46, v45  }
0x1ac: {  	v50 =	vld [tilespmem:$0x27F0];
	v26 =	vsub.f32 v26, v47  }
0x1ad: {  	v27 =	vadd.f32 v48, v27;
	v51 =	vpop (erf)  }
0x1ae: {  	v53 =	vld [tilespmem:$0x15F0];
	v26 =	vsub.f32 v26, v34;
	v52 =	vpop (erf)  }
0x1af: {  	v27 =	vadd.f32 v49, v27;
	v29 =	vadd.f32 $1.000000000e+00, v52  }
0x1b0: {  	v54 =	vld [tilespmem:$0x17F0];
	v26 =	vmul.f32 $1.442695020e+00, v26  }
0x1b1: {  	v27 =	vadd.f32 v50, v27;
	(erf) = vrcp.f32 v29  }
0x1b2: {  	v55 =	vld [tilespmem:$0x19F0];
	(erf) = vpow2.f32 v26  }
0x1b3: {  	v27 =	vsub.f32 v27, v53  }
0x1b4: {  	v56 =	vld [tilespmem:$0x1BF0]  }
0x1b5: {  	v27 =	vsub.f32 v27, v54  }
0x1b6: {  	[tilespmem:$0x2800] =	vst v0;
	v57 =	vld [tilespmem:$0x1DF0]  }
0x1b7: {  	[tilespmem:$0x2810] =	vst v1;
	v58 =	vsub.f32 v27, v55  }
0x1b8: {  	[tilespmem:$0x2820] =	vst v2  }
0x1b9: {  	[tilespmem:$0x2830] =	vst v3;
	v1 =	vsub.f32 v58, v56  }
0x1ba: {  	[tilespmem:$0x2840] =	vst v4;
	v59 =	vpop (erf)  }
0x1bb: {  	[tilespmem:$0x2850] =	vst v5;
	v0 =	vsub.f32 v1, v57;
	v60 =	vpop (erf)  }
0x1bc: {  	[tilespmem:$0x2860] =	vst v6;
	v1 =	vadd.f32 $1.000000000e+00, v60  }
0x1bd: {  	[tilespmem:$0x2870] =	vst v7;
	v0 =	vmul.f32 $1.442695020e+00, v0  }
0x1be: {  	[tilespmem:$0x2880] =	vst v8;
	(erf) = vrcp.f32 v1  }
0x1bf: {  	[tilespmem:$0x2890] =	vst v9;
	(erf) = vpow2.f32 v0  }
0x1c0: {  	[tilespmem:$0x28A0] =	vst v10  }
0x1c1: {  	[tilespmem:$0x28B0] =	vst v11  }
0x1c2: {  	[tilespmem:$0x28C0] =	vst v12  }
0x1c3: {  	[tilespmem:$0x28D0] =	vst v13  }
0x1c4: {  	[tilespmem:$0x28E0] =	vst v14  }
0x1c5: {  	[tilespmem:$0x28F0] =	vst v15  }
0x1c6: {  	[tilespmem:$0x2900] =	vst v16  }
0x1c7: {  	[tilespmem:$0x2910] =	vst v17;
	v61 =	vpop (erf)  }
0x1c8: {  	[tilespmem:$0x2920] =	vst v18;
	v62 =	vpop (erf)  }
0x1c9: {  	[tilespmem:$0x2930] =	vst v19;
	v1 =	vadd.f32 $1.000000000e+00, v62  }
0x1ca: {  	[tilespmem:$0x2940] =	vst v20  }
0x1cb: {  	[tilespmem:$0x2950] =	vst v21;
	(erf) = vrcp.f32 v1  }
0x1cc: {  	[tilespmem:$0x2960] =	vst v22  }
0x1cd: {  	[tilespmem:$0x2970] =	vst v23  }
0x1ce: {  	[tilespmem:$0x2980] =	vst v24  }
0x1cf: {  	[tilespmem:$0x2990] =	vst v25  }
0x1d0: {  	[tilespmem:$0x29A0] =	vst v31  }
0x1d1: {  	[tilespmem:$0x29B0] =	vst v40  }
0x1d2: {  	[tilespmem:$0x29C0] =	vst v51  }
0x1d3: {  	[tilespmem:$0x29D0] =	vst v59  }
0x1d4: {  	p0 =	sne.s32 s6, $0x1;
	[tilespmem:$0x29E0] =	vst v61;
	v63 =	vpop (erf)  }
.Ltmp0:
0x1d5: {  	[tilespmem:$0x29F0] =	vst v63;
	(pc) =	sbr.rel @p0 .LBB2_1-.Ltmp0, $4  }
0x1d6: {  	[hbm4b:s5+s2] =	stream.linear.scatter [tilespmem:s12], [sflag:$0x2], $0x200, $0x38;
	[tilespmem:$0x2A00] =	vst v63  }
0x1d7: {  	_ =	swait.ge [sflag:s9], $0x200  }
0x1d8: {  	[sflag:s9] =	ssyncset.done $0x0  }
0x1d9: {  	s6 =	sadd.s32 $0xFFFFFFFF, s6;
	[sflag:s9] =	ssyncadd.s32 $0xFFFFFE00  }
0x1da: {  	_ =	sfence.sel $0x180000  }
0x1db: {  	[bflag:$0x0] =	sbarrier.arrive $0xFFFF  }
0x1dc: {  	p0 =	sne.s32 s0, $0x0;
	_ =	strace $0x90000047  }
0x1dd: {  	s0 =	sadd.s32 @!p0 $0x100000, s1;
	[bflag:$0x2] =	sbarrier.arrive $0xFFFF  }
0x1de: {  	[sflag:s0] =	ssyncadd.tile.s32 @!p0 $0x1;
	_ =	shalt  }
.Lfunc_end2:
_tile_overlayer_lowered:
.L_overlay_start_2:
0x1df: {  	(tag) =	ssettag $0x2  }
0x1e0: {  	s0 =	rddreg [dreg:$0x0];
	s2 =	stileid.u32  }
0x1e1: {  	s1 =	rddreg [dreg:$0x1];
	p0 =	sne.s32 s2, $0x0  }
0x1e2: {  	s3 =	rddreg [dreg:$0x2];
	[bflag:$0x3] =	sbarrier.arrive $0xFFFF;
	s2 =	simm.s32 @!p0 $0x1C02  }
0x1e3: {  	[timem:s3], [sflag:s2] =	dma.local @!p0 [hbm:s0], s1  }
0x1e4: {  	s0 =	simm.s32 @!p0 $0x2  }
0x1e5: {  	_ =	swait.ge @!p0 [sflag:s0], s1  }
0x1e6: {  	s1 =	ssub.s32 @!p0 $0x0, s1;
	[sflag:s0] =	ssyncset.done @!p0 $0x0  }
0x1e7: {  	[sflag:s0] =	ssyncadd.s32 @!p0 s1  }
0x1e8: {  	[bflag:$0x3] =	sbarrier.arrive $0xFFFF  }
0x1e9: {  	_ =	shalt  }

</sc_bundles>
